<compile_context>
chip_gen: v7x
topology: tpu7x:2x2x1
jax: 0.10.2.dev20260603
libtpu: 0.0.44.dev20260713+nightly
codegen_flags: <defaults>
</compile_context>

<pallas_src>
import functools

import jax
import jax.numpy as jnp
from jax import lax
from jax.experimental import pallas as pl
from jax.experimental.pallas import tpu as pltpu
from jax.experimental.pallas import tpu_sc as plsc

_NC, _NS = 2, 16
_NW = _NC * _NS
_CHUNK = 16
_NBUF = 4
_LAG = 3
_REP = 960


def _sc_gather(table, idx_flat, s_dim, n_dim):
    B = idx_flat.shape[0]
    D = table.shape[1]
    b_per_w = B // _NW
    chunks = b_per_w // _CHUNK
    assert chunks % _NBUF == 0 and chunks >= 2 * _NBUF
    groups = chunks // _NBUF
    mesh = plsc.VectorSubcoreMesh(core_axis_name="c", subcore_axis_name="s")

    @functools.partial(
        pl.kernel,
        mesh=mesh,
        out_type=jax.ShapeDtypeStruct((s_dim, n_dim, D), jnp.float32),
        scratch_types=[
            pltpu.VMEM((b_per_w,), jnp.int32),
        ]
        + [pltpu.VMEM((_CHUNK, D), jnp.float32)] * _NBUF
        + [pltpu.SemaphoreType.DMA] * (2 * _NBUF),
    )
    def k(table_hbm, idx_hbm, out3d_hbm, idx_v, *bufs_and_sems):
        rows = bufs_and_sems[:_NBUF]
        gsem = bufs_and_sems[_NBUF : 2 * _NBUF]
        wsem = bufs_and_sems[2 * _NBUF :]

        out_hbm = out3d_hbm.reshape(B, D)
        wid = lax.axis_index("s") * _NC + lax.axis_index("c")
        base = wid * b_per_w
        pltpu.sync_copy(idx_hbm.at[pl.ds(base, b_per_w)], idx_v)

        def start_gather(c, b):
            pltpu.make_async_copy(
                table_hbm.at[idx_v.at[pl.ds(c * _CHUNK, _CHUNK)]],
                rows[b],
                gsem[b],
            ).start()

        def wait_gather(b):
            pltpu.make_async_copy(
                table_hbm.at[idx_v.at[pl.ds(0, _CHUNK)]], rows[b], gsem[b]
            ).wait()

        def start_write(c, b):
            pltpu.make_async_copy(
                rows[b], out_hbm.at[pl.ds(base + c * _CHUNK, _CHUNK)], wsem[b]
            ).start()

        def wait_write(b):
            pltpu.make_async_copy(
                rows[b], out_hbm.at[pl.ds(base, _CHUNK)], wsem[b]
            ).wait()

        for b in range(_NBUF):
            start_gather(b, b)
        for j in range(_NBUF - _LAG):
            wait_gather(j % _NBUF)
            start_write(j, j % _NBUF)

        @pl.loop(1, groups)
        def _(g):
            c_base = g * _NBUF
            for b in range(_NBUF):
                i = c_base + b
                bj = (b - _LAG) % _NBUF
                wait_write(b)
                start_gather(i, b)
                wait_gather(bj)
                start_write(i - _LAG, bj)

        for j in range(chunks - _LAG, chunks):
            bj = j % _NBUF
            wait_gather(bj)
            start_write(j, bj)
        for b in range(_NBUF):
            wait_write(b)

    return k(table, idx_flat)


def kernel(seq_input, token_type_input, token_type_embeddings):
    s, n = seq_input.shape
    if token_type_input is None:
        token_type_input = jnp.zeros((s, n), dtype=jnp.int32)
    B = s * n
    idx_flat = token_type_input.reshape(-1)
    if _REP > 1:
        table = jnp.tile(token_type_embeddings, (_REP, 1))
        idx_flat = idx_flat + 2 * (jnp.arange(B, dtype=jnp.int32) % _REP)
    else:
        table = token_type_embeddings
    return _sc_gather(table, idx_flat, s, n)

# --- scband reference (transcript-rebuilt; emitter-appended) ---
"""Pipeline reference for scband-token-type-encoding-80023830659614 (READ-ONLY COPY).

The authoritative reference and input builder live on the scoring server;
editing this copy changes nothing except your own understanding.
"""

import jax, jax.numpy as jnp
import numpy as np

S, N = 8192, 4
TYPE_TOKEN_NUM = 2
D_MODEL = 1024

def setup_inputs(seed: int = 0) -> dict:
    key = jax.random.key(seed)
    k1, k2, k3 = jax.random.split(key, 3)
    seq_input = jax.random.randint(k1, (S, N), 0, 30522, dtype=jnp.int64 if jax.config.jax_enable_x64 else jnp.int32).astype(jnp.int32)
    token_type_input = jax.random.randint(k2, (S, N), 0, TYPE_TOKEN_NUM).astype(jnp.int32)
    # nn.Embedding default init: N(0, 1)
    token_type_embeddings = jax.random.normal(k3, (TYPE_TOKEN_NUM, D_MODEL), dtype=jnp.float32)
    return {"seq_input": seq_input, "token_type_input": token_type_input, "token_type_embeddings": token_type_embeddings}

def reference(seq_input, token_type_input, token_type_embeddings):
    # zeroShape: if token_type_input is None, use zeros of shape (S, N)
    s, n = seq_input.shape
    if token_type_input is None:
        token_type_input = jnp.zeros((s, n), dtype=jnp.int32)
    # embedding lookup -> [S, N, d_model]
    return jnp.take(token_type_embeddings, token_type_input, axis=0)

if __name__ == "__main__":
    import jax
    _d = setup_inputs()
    print(jax.jit(kernel)(*tuple(_d.values())))

</pallas_src>

<mosaic_0001>
#map = affine_map<(d0, d1) -> (0, 0)>
#map1 = affine_map<(d0, d1) -> (0)>
#map2 = affine_map<(d0, d1) -> (0, 0, 0)>
module attributes {stable_mosaic.version = 14 : i64} {
  func.func @k(%arg0: i32, %arg1: i32, %arg2: memref<1920x1024xf32, #tpu.memory_space<hbm>>, %arg3: memref<32768xi32, #tpu.memory_space<hbm>>, %arg4: memref<8192x4x1024xf32, #tpu.memory_space<hbm>>, %arg5: memref<1024xi32, #tpu.memory_space<vmem>>, %arg6: memref<16x1024xf32, #tpu.memory_space<vmem>>, %arg7: memref<16x1024xf32, #tpu.memory_space<vmem>>, %arg8: memref<16x1024xf32, #tpu.memory_space<vmem>>, %arg9: memref<16x1024xf32, #tpu.memory_space<vmem>>, %arg10: memref<!tpu.dma_semaphore, #tpu.memory_space<semaphore_mem>>, %arg11: memref<!tpu.dma_semaphore, #tpu.memory_space<semaphore_mem>>, %arg12: memref<!tpu.dma_semaphore, #tpu.memory_space<semaphore_mem>>, %arg13: memref<!tpu.dma_semaphore, #tpu.memory_space<semaphore_mem>>, %arg14: memref<!tpu.dma_semaphore, #tpu.memory_space<semaphore_mem>>, %arg15: memref<!tpu.dma_semaphore, #tpu.memory_space<semaphore_mem>>, %arg16: memref<!tpu.dma_semaphore, #tpu.memory_space<semaphore_mem>>, %arg17: memref<!tpu.dma_semaphore, #tpu.memory_space<semaphore_mem>>) attributes {dimension_semantics = [#tpu.dimension_semantics<core_parallel>, #tpu.dimension_semantics<subcore_parallel>], iteration_bounds = array<i64: 2, 16>, scalar_prefetch = 0 : i64, scratch_operands = 13 : i64, tpu.core_type = #tpu.core_type<sc_vector_subcore>, window_params = [{transform_indices = #map}, {transform_indices = #map1}, {transform_indices = #map2}]} {
    %mul3A = arith.constant 2 : i32
    %mul3A_0 = arith.muli %arg1, %mul3A : i32
    %add3A = arith.addi %mul3A_0, %arg0 : i32
    %mul3A_1 = arith.constant 1024 : i32
    %mul3A_2 = arith.muli %add3A, %mul3A_1 : i32
    "tpu.region"() ({
      %run_scoped3A = tpu.sem_alloc : memref<!tpu.dma_semaphore, #tpu.memory_space<semaphore_mem>>
      %dma_start3A_101 = tpu.memref_slice %arg3[%mul3A_2] : memref<32768xi32, #tpu.memory_space<hbm>> -> memref<1024xi32, #tpu.memory_space<hbm>>
      %dma_start3A_102 = tpu.memref_slice %arg3[%mul3A_2] : memref<32768xi32, #tpu.memory_space<hbm>> -> memref<1024xi32, #tpu.memory_space<hbm>>
      tpu.enqueue_dma source(%dma_start3A_102 : memref<1024xi32, #tpu.memory_space<hbm>>) target(%arg5 : memref<1024xi32, #tpu.memory_space<vmem>>) target_semaphore(%run_scoped3A : memref<!tpu.dma_semaphore, #tpu.memory_space<semaphore_mem>>)
      %dma_wait3A_103 = tpu.memref_slice %arg3[%mul3A_2] : memref<32768xi32, #tpu.memory_space<hbm>> -> memref<1024xi32, #tpu.memory_space<hbm>>
      %dma_wait3A_104 = tpu.memref_slice %arg3[%mul3A_2] : memref<32768xi32, #tpu.memory_space<hbm>> -> memref<1024xi32, #tpu.memory_space<hbm>>
      tpu.wait_dma2 semaphore(%run_scoped3A : memref<!tpu.dma_semaphore, #tpu.memory_space<semaphore_mem>>) src(%dma_wait3A_104 : memref<1024xi32, #tpu.memory_space<hbm>>) dst(%arg5 : memref<1024xi32, #tpu.memory_space<vmem>>)
      tpu.yield
    }) : () -> ()
    %dma_start3A = arith.constant 0 : i32
    %dma_start3A_3 = tpu.memref_slice %arg5[%dma_start3A] : memref<1024xi32, #tpu.memory_space<vmem>> -> memref<16xi32, #tpu.memory_space<vmem>>
    %dma_start3A_4 = arith.constant 0 : i32
    %dma_start3A_5 = arith.constant 0 : i32
    %dma_start3A_6 = tpu.memref_slice %arg2[%dma_start3A_4, %dma_start3A_5] : memref<1920x1024xf32, #tpu.memory_space<hbm>> -> memref<1920x1024xf32, #tpu.memory_space<hbm>>
    tpu.enqueue_indirect_dma source(%dma_start3A_6 : memref<1920x1024xf32, #tpu.memory_space<hbm>>) target(%arg6 : memref<16x1024xf32, #tpu.memory_space<vmem>>) offsets(%dma_start3A_3 : memref<16xi32, #tpu.memory_space<vmem>>) semaphore(%arg10 : memref<!tpu.dma_semaphore, #tpu.memory_space<semaphore_mem>>)
    %dma_start3A_7 = arith.constant 16 : i32
    %dma_start3A_8 = tpu.memref_slice %arg5[%dma_start3A_7] : memref<1024xi32, #tpu.memory_space<vmem>> -> memref<16xi32, #tpu.memory_space<vmem>>
    %dma_start3A_9 = arith.constant 0 : i32
    %dma_start3A_10 = arith.constant 0 : i32
    %dma_start3A_11 = tpu.memref_slice %arg2[%dma_start3A_9, %dma_start3A_10] : memref<1920x1024xf32, #tpu.memory_space<hbm>> -> memref<1920x1024xf32, #tpu.memory_space<hbm>>
    tpu.enqueue_indirect_dma source(%dma_start3A_11 : memref<1920x1024xf32, #tpu.memory_space<hbm>>) target(%arg7 : memref<16x1024xf32, #tpu.memory_space<vmem>>) offsets(%dma_start3A_8 : memref<16xi32, #tpu.memory_space<vmem>>) semaphore(%arg11 : memref<!tpu.dma_semaphore, #tpu.memory_space<semaphore_mem>>)
    %dma_start3A_12 = arith.constant 32 : i32
    %dma_start3A_13 = tpu.memref_slice %arg5[%dma_start3A_12] : memref<1024xi32, #tpu.memory_space<vmem>> -> memref<16xi32, #tpu.memory_space<vmem>>
    %dma_start3A_14 = arith.constant 0 : i32
    %dma_start3A_15 = arith.constant 0 : i32
    %dma_start3A_16 = tpu.memref_slice %arg2[%dma_start3A_14, %dma_start3A_15] : memref<1920x1024xf32, #tpu.memory_space<hbm>> -> memref<1920x1024xf32, #tpu.memory_space<hbm>>
    tpu.enqueue_indirect_dma source(%dma_start3A_16 : memref<1920x1024xf32, #tpu.memory_space<hbm>>) target(%arg8 : memref<16x1024xf32, #tpu.memory_space<vmem>>) offsets(%dma_start3A_13 : memref<16xi32, #tpu.memory_space<vmem>>) semaphore(%arg12 : memref<!tpu.dma_semaphore, #tpu.memory_space<semaphore_mem>>)
    %dma_start3A_17 = arith.constant 48 : i32
    %dma_start3A_18 = tpu.memref_slice %arg5[%dma_start3A_17] : memref<1024xi32, #tpu.memory_space<vmem>> -> memref<16xi32, #tpu.memory_space<vmem>>
    %dma_start3A_19 = arith.constant 0 : i32
    %dma_start3A_20 = arith.constant 0 : i32
    %dma_start3A_21 = tpu.memref_slice %arg2[%dma_start3A_19, %dma_start3A_20] : memref<1920x1024xf32, #tpu.memory_space<hbm>> -> memref<1920x1024xf32, #tpu.memory_space<hbm>>
    tpu.enqueue_indirect_dma source(%dma_start3A_21 : memref<1920x1024xf32, #tpu.memory_space<hbm>>) target(%arg9 : memref<16x1024xf32, #tpu.memory_space<vmem>>) offsets(%dma_start3A_18 : memref<16xi32, #tpu.memory_space<vmem>>) semaphore(%arg13 : memref<!tpu.dma_semaphore, #tpu.memory_space<semaphore_mem>>)
    %dma_wait3A = arith.constant 0 : i32
    %dma_wait3A_22 = tpu.memref_slice %arg5[%dma_wait3A] : memref<1024xi32, #tpu.memory_space<vmem>> -> memref<16xi32, #tpu.memory_space<vmem>>
    %dma_wait3A_23 = arith.constant 0 : i32
    %dma_wait3A_24 = arith.constant 0 : i32
    %dma_wait3A_25 = tpu.memref_slice %arg2[%dma_wait3A_23, %dma_wait3A_24] : memref<1920x1024xf32, #tpu.memory_space<hbm>> -> memref<1920x1024xf32, #tpu.memory_space<hbm>>
    tpu.wait_indirect_dma semaphore(%arg10 : memref<!tpu.dma_semaphore, #tpu.memory_space<semaphore_mem>>) src(%dma_wait3A_25 : memref<1920x1024xf32, #tpu.memory_space<hbm>>) dst(%arg6 : memref<16x1024xf32, #tpu.memory_space<vmem>>)
    %add3A_26 = arith.constant 0 : i32
    %add3A_27 = arith.addi %mul3A_2, %add3A_26 : i32
    %dma_start3A_28 = tpu.memref_reshape %arg4 : memref<8192x4x1024xf32, #tpu.memory_space<hbm>> -> memref<32768x1024xf32, #tpu.memory_space<hbm>>
    %dma_start3A_29 = arith.constant 0 : i32
    %dma_start3A_30 = tpu.memref_slice %dma_start3A_28[%add3A_27, %dma_start3A_29] : memref<32768x1024xf32, #tpu.memory_space<hbm>> -> memref<16x1024xf32, #tpu.memory_space<hbm>>
    %dma_start3A_31 = tpu.memref_reshape %arg4 : memref<8192x4x1024xf32, #tpu.memory_space<hbm>> -> memref<32768x1024xf32, #tpu.memory_space<hbm>>
    %dma_start3A_32 = arith.constant 0 : i32
    %dma_start3A_33 = tpu.memref_slice %dma_start3A_31[%add3A_27, %dma_start3A_32] : memref<32768x1024xf32, #tpu.memory_space<hbm>> -> memref<16x1024xf32, #tpu.memory_space<hbm>>
    tpu.enqueue_dma source(%arg6 : memref<16x1024xf32, #tpu.memory_space<vmem>>) target(%dma_start3A_33 : memref<16x1024xf32, #tpu.memory_space<hbm>>) target_semaphore(%arg14 : memref<!tpu.dma_semaphore, #tpu.memory_space<semaphore_mem>>)
    %scan3A = arith.constant 0 : i32
    %scan3A_34 = arith.constant 15 : i32
    %scan3A_35 = arith.addi %scan3A, %scan3A_34 : i32
    %scan3A_36 = arith.constant 1 : i32
    scf.for %scan3A_101 = %scan3A to %scan3A_35 step %scan3A_36  : i32 {
      %mul3A_102 = arith.constant 1 : i32
      %mul3A_103 = arith.muli %scan3A_101, %mul3A_102 : i32
      %add3A_104 = arith.constant 1 : i32
      %add3A_105 = arith.addi %add3A_104, %mul3A_103 : i32
      %mul3A_106 = arith.constant 4 : i32
      %mul3A_107 = arith.muli %add3A_105, %mul3A_106 : i32
      %add3A_108 = arith.constant 0 : i32
      %add3A_109 = arith.addi %mul3A_107, %add3A_108 : i32
      %dma_wait3A_110 = tpu.memref_reshape %arg4 : memref<8192x4x1024xf32, #tpu.memory_space<hbm>> -> memref<32768x1024xf32, #tpu.memory_space<hbm>>
      %dma_wait3A_111 = arith.constant 0 : i32
      %dma_wait3A_112 = tpu.memref_slice %dma_wait3A_110[%mul3A_2, %dma_wait3A_111] : memref<32768x1024xf32, #tpu.memory_space<hbm>> -> memref<16x1024xf32, #tpu.memory_space<hbm>>
      %dma_wait3A_113 = tpu.memref_reshape %arg4 : memref<8192x4x1024xf32, #tpu.memory_space<hbm>> -> memref<32768x1024xf32, #tpu.memory_space<hbm>>
      %dma_wait3A_114 = arith.constant 0 : i32
      %dma_wait3A_115 = tpu.memref_slice %dma_wait3A_113[%mul3A_2, %dma_wait3A_114] : memref<32768x1024xf32, #tpu.memory_space<hbm>> -> memref<16x1024xf32, #tpu.memory_space<hbm>>
      tpu.wait_dma2 semaphore(%arg14 : memref<!tpu.dma_semaphore, #tpu.memory_space<semaphore_mem>>) src(%arg6 : memref<16x1024xf32, #tpu.memory_space<vmem>>) dst(%dma_wait3A_115 : memref<16x1024xf32, #tpu.memory_space<hbm>>)
      %mul3A_116 = arith.constant 16 : i32
      %mul3A_117 = arith.muli %add3A_109, %mul3A_116 : i32
      %dma_start3A_118 = tpu.memref_slice %arg5[%mul3A_117] : memref<1024xi32, #tpu.memory_space<vmem>> -> memref<16xi32, #tpu.memory_space<vmem>>
      %dma_start3A_119 = arith.constant 0 : i32
      %dma_start3A_120 = arith.constant 0 : i32
      %dma_start3A_121 = tpu.memref_slice %arg2[%dma_start3A_119, %dma_start3A_120] : memref<1920x1024xf32, #tpu.memory_space<hbm>> -> memref<1920x1024xf32, #tpu.memory_space<hbm>>
      tpu.enqueue_indirect_dma source(%dma_start3A_121 : memref<1920x1024xf32, #tpu.memory_space<hbm>>) target(%arg6 : memref<16x1024xf32, #tpu.memory_space<vmem>>) offsets(%dma_start3A_118 : memref<16xi32, #tpu.memory_space<vmem>>) semaphore(%arg10 : memref<!tpu.dma_semaphore, #tpu.memory_space<semaphore_mem>>)
      %dma_wait3A_122 = arith.constant 0 : i32
      %dma_wait3A_123 = tpu.memref_slice %arg5[%dma_wait3A_122] : memref<1024xi32, #tpu.memory_space<vmem>> -> memref<16xi32, #tpu.memory_space<vmem>>
      %dma_wait3A_124 = arith.constant 0 : i32
      %dma_wait3A_125 = arith.constant 0 : i32
      %dma_wait3A_126 = tpu.memref_slice %arg2[%dma_wait3A_124, %dma_wait3A_125] : memref<1920x1024xf32, #tpu.memory_space<hbm>> -> memref<1920x1024xf32, #tpu.memory_space<hbm>>
      tpu.wait_indirect_dma semaphore(%arg11 : memref<!tpu.dma_semaphore, #tpu.memory_space<semaphore_mem>>) src(%dma_wait3A_126 : memref<1920x1024xf32, #tpu.memory_space<hbm>>) dst(%arg7 : memref<16x1024xf32, #tpu.memory_space<vmem>>)
      %sub3A = arith.constant 3 : i32
      %sub3A_127 = arith.subi %add3A_109, %sub3A : i32
      %mul3A_128 = arith.constant 16 : i32
      %mul3A_129 = arith.muli %sub3A_127, %mul3A_128 : i32
      %add3A_130 = arith.addi %mul3A_2, %mul3A_129 : i32
      %dma_start3A_131 = tpu.memref_reshape %arg4 : memref<8192x4x1024xf32, #tpu.memory_space<hbm>> -> memref<32768x1024xf32, #tpu.memory_space<hbm>>
      %dma_start3A_132 = arith.constant 0 : i32
      %dma_start3A_133 = tpu.memref_slice %dma_start3A_131[%add3A_130, %dma_start3A_132] : memref<32768x1024xf32, #tpu.memory_space<hbm>> -> memref<16x1024xf32, #tpu.memory_space<hbm>>
      %dma_start3A_134 = tpu.memref_reshape %arg4 : memref<8192x4x1024xf32, #tpu.memory_space<hbm>> -> memref<32768x1024xf32, #tpu.memory_space<hbm>>
      %dma_start3A_135 = arith.constant 0 : i32
      %dma_start3A_136 = tpu.memref_slice %dma_start3A_134[%add3A_130, %dma_start3A_135] : memref<32768x1024xf32, #tpu.memory_space<hbm>> -> memref<16x1024xf32, #tpu.memory_space<hbm>>
      tpu.enqueue_dma source(%arg7 : memref<16x1024xf32, #tpu.memory_space<vmem>>) target(%dma_start3A_136 : memref<16x1024xf32, #tpu.memory_space<hbm>>) target_semaphore(%arg15 : memref<!tpu.dma_semaphore, #tpu.memory_space<semaphore_mem>>)
      %add3A_137 = arith.constant 1 : i32
      %add3A_138 = arith.addi %mul3A_107, %add3A_137 : i32
      %dma_wait3A_139 = tpu.memref_reshape %arg4 : memref<8192x4x1024xf32, #tpu.memory_space<hbm>> -> memref<32768x1024xf32, #tpu.memory_space<hbm>>
      %dma_wait3A_140 = arith.constant 0 : i32
      %dma_wait3A_141 = tpu.memref_slice %dma_wait3A_139[%mul3A_2, %dma_wait3A_140] : memref<32768x1024xf32, #tpu.memory_space<hbm>> -> memref<16x1024xf32, #tpu.memory_space<hbm>>
      %dma_wait3A_142 = tpu.memref_reshape %arg4 : memref<8192x4x1024xf32, #tpu.memory_space<hbm>> -> memref<32768x1024xf32, #tpu.memory_space<hbm>>
      %dma_wait3A_143 = arith.constant 0 : i32
      %dma_wait3A_144 = tpu.memref_slice %dma_wait3A_142[%mul3A_2, %dma_wait3A_143] : memref<32768x1024xf32, #tpu.memory_space<hbm>> -> memref<16x1024xf32, #tpu.memory_space<hbm>>
      tpu.wait_dma2 semaphore(%arg15 : memref<!tpu.dma_semaphore, #tpu.memory_space<semaphore_mem>>) src(%arg7 : memref<16x1024xf32, #tpu.memory_space<vmem>>) dst(%dma_wait3A_144 : memref<16x1024xf32, #tpu.memory_space<hbm>>)
      %mul3A_145 = arith.constant 16 : i32
      %mul3A_146 = arith.muli %add3A_138, %mul3A_145 : i32
      %dma_start3A_147 = tpu.memref_slice %arg5[%mul3A_146] : memref<1024xi32, #tpu.memory_space<vmem>> -> memref<16xi32, #tpu.memory_space<vmem>>
      %dma_start3A_148 = arith.constant 0 : i32
      %dma_start3A_149 = arith.constant 0 : i32
      %dma_start3A_150 = tpu.memref_slice %arg2[%dma_start3A_148, %dma_start3A_149] : memref<1920x1024xf32, #tpu.memory_space<hbm>> -> memref<1920x1024xf32, #tpu.memory_space<hbm>>
      tpu.enqueue_indirect_dma source(%dma_start3A_150 : memref<1920x1024xf32, #tpu.memory_space<hbm>>) target(%arg7 : memref<16x1024xf32, #tpu.memory_space<vmem>>) offsets(%dma_start3A_147 : memref<16xi32, #tpu.memory_space<vmem>>) semaphore(%arg11 : memref<!tpu.dma_semaphore, #tpu.memory_space<semaphore_mem>>)
      %dma_wait3A_151 = arith.constant 0 : i32
      %dma_wait3A_152 = tpu.memref_slice %arg5[%dma_wait3A_151] : memref<1024xi32, #tpu.memory_space<vmem>> -> memref<16xi32, #tpu.memory_space<vmem>>
      %dma_wait3A_153 = arith.constant 0 : i32
      %dma_wait3A_154 = arith.constant 0 : i32
      %dma_wait3A_155 = tpu.memref_slice %arg2[%dma_wait3A_153, %dma_wait3A_154] : memref<1920x1024xf32, #tpu.memory_space<hbm>> -> memref<1920x1024xf32, #tpu.memory_space<hbm>>
      tpu.wait_indirect_dma semaphore(%arg12 : memref<!tpu.dma_semaphore, #tpu.memory_space<semaphore_mem>>) src(%dma_wait3A_155 : memref<1920x1024xf32, #tpu.memory_space<hbm>>) dst(%arg8 : memref<16x1024xf32, #tpu.memory_space<vmem>>)
      %sub3A_156 = arith.constant 3 : i32
      %sub3A_157 = arith.subi %add3A_138, %sub3A_156 : i32
      %mul3A_158 = arith.constant 16 : i32
      %mul3A_159 = arith.muli %sub3A_157, %mul3A_158 : i32
      %add3A_160 = arith.addi %mul3A_2, %mul3A_159 : i32
      %dma_start3A_161 = tpu.memref_reshape %arg4 : memref<8192x4x1024xf32, #tpu.memory_space<hbm>> -> memref<32768x1024xf32, #tpu.memory_space<hbm>>
      %dma_start3A_162 = arith.constant 0 : i32
      %dma_start3A_163 = tpu.memref_slice %dma_start3A_161[%add3A_160, %dma_start3A_162] : memref<32768x1024xf32, #tpu.memory_space<hbm>> -> memref<16x1024xf32, #tpu.memory_space<hbm>>
      %dma_start3A_164 = tpu.memref_reshape %arg4 : memref<8192x4x1024xf32, #tpu.memory_space<hbm>> -> memref<32768x1024xf32, #tpu.memory_space<hbm>>
      %dma_start3A_165 = arith.constant 0 : i32
      %dma_start3A_166 = tpu.memref_slice %dma_start3A_164[%add3A_160, %dma_start3A_165] : memref<32768x1024xf32, #tpu.memory_space<hbm>> -> memref<16x1024xf32, #tpu.memory_space<hbm>>
      tpu.enqueue_dma source(%arg8 : memref<16x1024xf32, #tpu.memory_space<vmem>>) target(%dma_start3A_166 : memref<16x1024xf32, #tpu.memory_space<hbm>>) target_semaphore(%arg16 : memref<!tpu.dma_semaphore, #tpu.memory_space<semaphore_mem>>)
      %add3A_167 = arith.constant 2 : i32
      %add3A_168 = arith.addi %mul3A_107, %add3A_167 : i32
      %dma_wait3A_169 = tpu.memref_reshape %arg4 : memref<8192x4x1024xf32, #tpu.memory_space<hbm>> -> memref<32768x1024xf32, #tpu.memory_space<hbm>>
      %dma_wait3A_170 = arith.constant 0 : i32
      %dma_wait3A_171 = tpu.memref_slice %dma_wait3A_169[%mul3A_2, %dma_wait3A_170] : memref<32768x1024xf32, #tpu.memory_space<hbm>> -> memref<16x1024xf32, #tpu.memory_space<hbm>>
      %dma_wait3A_172 = tpu.memref_reshape %arg4 : memref<8192x4x1024xf32, #tpu.memory_space<hbm>> -> memref<32768x1024xf32, #tpu.memory_space<hbm>>
      %dma_wait3A_173 = arith.constant 0 : i32
      %dma_wait3A_174 = tpu.memref_slice %dma_wait3A_172[%mul3A_2, %dma_wait3A_173] : memref<32768x1024xf32, #tpu.memory_space<hbm>> -> memref<16x1024xf32, #tpu.memory_space<hbm>>
      tpu.wait_dma2 semaphore(%arg16 : memref<!tpu.dma_semaphore, #tpu.memory_space<semaphore_mem>>) src(%arg8 : memref<16x1024xf32, #tpu.memory_space<vmem>>) dst(%dma_wait3A_174 : memref<16x1024xf32, #tpu.memory_space<hbm>>)
      %mul3A_175 = arith.constant 16 : i32
      %mul3A_176 = arith.muli %add3A_168, %mul3A_175 : i32
      %dma_start3A_177 = tpu.memref_slice %arg5[%mul3A_176] : memref<1024xi32, #tpu.memory_space<vmem>> -> memref<16xi32, #tpu.memory_space<vmem>>
      %dma_start3A_178 = arith.constant 0 : i32
      %dma_start3A_179 = arith.constant 0 : i32
      %dma_start3A_180 = tpu.memref_slice %arg2[%dma_start3A_178, %dma_start3A_179] : memref<1920x1024xf32, #tpu.memory_space<hbm>> -> memref<1920x1024xf32, #tpu.memory_space<hbm>>
      tpu.enqueue_indirect_dma source(%dma_start3A_180 : memref<1920x1024xf32, #tpu.memory_space<hbm>>) target(%arg8 : memref<16x1024xf32, #tpu.memory_space<vmem>>) offsets(%dma_start3A_177 : memref<16xi32, #tpu.memory_space<vmem>>) semaphore(%arg12 : memref<!tpu.dma_semaphore, #tpu.memory_space<semaphore_mem>>)
      %dma_wait3A_181 = arith.constant 0 : i32
      %dma_wait3A_182 = tpu.memref_slice %arg5[%dma_wait3A_181] : memref<1024xi32, #tpu.memory_space<vmem>> -> memref<16xi32, #tpu.memory_space<vmem>>
      %dma_wait3A_183 = arith.constant 0 : i32
      %dma_wait3A_184 = arith.constant 0 : i32
      %dma_wait3A_185 = tpu.memref_slice %arg2[%dma_wait3A_183, %dma_wait3A_184] : memref<1920x1024xf32, #tpu.memory_space<hbm>> -> memref<1920x1024xf32, #tpu.memory_space<hbm>>
      tpu.wait_indirect_dma semaphore(%arg13 : memref<!tpu.dma_semaphore, #tpu.memory_space<semaphore_mem>>) src(%dma_wait3A_185 : memref<1920x1024xf32, #tpu.memory_space<hbm>>) dst(%arg9 : memref<16x1024xf32, #tpu.memory_space<vmem>>)
      %sub3A_186 = arith.constant 3 : i32
      %sub3A_187 = arith.subi %add3A_168, %sub3A_186 : i32
      %mul3A_188 = arith.constant 16 : i32
      %mul3A_189 = arith.muli %sub3A_187, %mul3A_188 : i32
      %add3A_190 = arith.addi %mul3A_2, %mul3A_189 : i32
      %dma_start3A_191 = tpu.memref_reshape %arg4 : memref<8192x4x1024xf32, #tpu.memory_space<hbm>> -> memref<32768x1024xf32, #tpu.memory_space<hbm>>
      %dma_start3A_192 = arith.constant 0 : i32
      %dma_start3A_193 = tpu.memref_slice %dma_start3A_191[%add3A_190, %dma_start3A_192] : memref<32768x1024xf32, #tpu.memory_space<hbm>> -> memref<16x1024xf32, #tpu.memory_space<hbm>>
      %dma_start3A_194 = tpu.memref_reshape %arg4 : memref<8192x4x1024xf32, #tpu.memory_space<hbm>> -> memref<32768x1024xf32, #tpu.memory_space<hbm>>
      %dma_start3A_195 = arith.constant 0 : i32
      %dma_start3A_196 = tpu.memref_slice %dma_start3A_194[%add3A_190, %dma_start3A_195] : memref<32768x1024xf32, #tpu.memory_space<hbm>> -> memref<16x1024xf32, #tpu.memory_space<hbm>>
      tpu.enqueue_dma source(%arg9 : memref<16x1024xf32, #tpu.memory_space<vmem>>) target(%dma_start3A_196 : memref<16x1024xf32, #tpu.memory_space<hbm>>) target_semaphore(%arg17 : memref<!tpu.dma_semaphore, #tpu.memory_space<semaphore_mem>>)
      %add3A_197 = arith.constant 3 : i32
      %add3A_198 = arith.addi %mul3A_107, %add3A_197 : i32
      %dma_wait3A_199 = tpu.memref_reshape %arg4 : memref<8192x4x1024xf32, #tpu.memory_space<hbm>> -> memref<32768x1024xf32, #tpu.memory_space<hbm>>
      %dma_wait3A_200 = arith.constant 0 : i32
      %dma_wait3A_201 = tpu.memref_slice %dma_wait3A_199[%mul3A_2, %dma_wait3A_200] : memref<32768x1024xf32, #tpu.memory_space<hbm>> -> memref<16x1024xf32, #tpu.memory_space<hbm>>
      %dma_wait3A_202 = tpu.memref_reshape %arg4 : memref<8192x4x1024xf32, #tpu.memory_space<hbm>> -> memref<32768x1024xf32, #tpu.memory_space<hbm>>
      %dma_wait3A_203 = arith.constant 0 : i32
      %dma_wait3A_204 = tpu.memref_slice %dma_wait3A_202[%mul3A_2, %dma_wait3A_203] : memref<32768x1024xf32, #tpu.memory_space<hbm>> -> memref<16x1024xf32, #tpu.memory_space<hbm>>
      tpu.wait_dma2 semaphore(%arg17 : memref<!tpu.dma_semaphore, #tpu.memory_space<semaphore_mem>>) src(%arg9 : memref<16x1024xf32, #tpu.memory_space<vmem>>) dst(%dma_wait3A_204 : memref<16x1024xf32, #tpu.memory_space<hbm>>)
      %mul3A_205 = arith.constant 16 : i32
      %mul3A_206 = arith.muli %add3A_198, %mul3A_205 : i32
      %dma_start3A_207 = tpu.memref_slice %arg5[%mul3A_206] : memref<1024xi32, #tpu.memory_space<vmem>> -> memref<16xi32, #tpu.memory_space<vmem>>
      %dma_start3A_208 = arith.constant 0 : i32
      %dma_start3A_209 = arith.constant 0 : i32
      %dma_start3A_210 = tpu.memref_slice %arg2[%dma_start3A_208, %dma_start3A_209] : memref<1920x1024xf32, #tpu.memory_space<hbm>> -> memref<1920x1024xf32, #tpu.memory_space<hbm>>
      tpu.enqueue_indirect_dma source(%dma_start3A_210 : memref<1920x1024xf32, #tpu.memory_space<hbm>>) target(%arg9 : memref<16x1024xf32, #tpu.memory_space<vmem>>) offsets(%dma_start3A_207 : memref<16xi32, #tpu.memory_space<vmem>>) semaphore(%arg13 : memref<!tpu.dma_semaphore, #tpu.memory_space<semaphore_mem>>)
      %dma_wait3A_211 = arith.constant 0 : i32
      %dma_wait3A_212 = tpu.memref_slice %arg5[%dma_wait3A_211] : memref<1024xi32, #tpu.memory_space<vmem>> -> memref<16xi32, #tpu.memory_space<vmem>>
      %dma_wait3A_213 = arith.constant 0 : i32
      %dma_wait3A_214 = arith.constant 0 : i32
      %dma_wait3A_215 = tpu.memref_slice %arg2[%dma_wait3A_213, %dma_wait3A_214] : memref<1920x1024xf32, #tpu.memory_space<hbm>> -> memref<1920x1024xf32, #tpu.memory_space<hbm>>
      tpu.wait_indirect_dma semaphore(%arg10 : memref<!tpu.dma_semaphore, #tpu.memory_space<semaphore_mem>>) src(%dma_wait3A_215 : memref<1920x1024xf32, #tpu.memory_space<hbm>>) dst(%arg6 : memref<16x1024xf32, #tpu.memory_space<vmem>>)
      %sub3A_216 = arith.constant 3 : i32
      %sub3A_217 = arith.subi %add3A_198, %sub3A_216 : i32
      %mul3A_218 = arith.constant 16 : i32
      %mul3A_219 = arith.muli %sub3A_217, %mul3A_218 : i32
      %add3A_220 = arith.addi %mul3A_2, %mul3A_219 : i32
      %dma_start3A_221 = tpu.memref_reshape %arg4 : memref<8192x4x1024xf32, #tpu.memory_space<hbm>> -> memref<32768x1024xf32, #tpu.memory_space<hbm>>
      %dma_start3A_222 = arith.constant 0 : i32
      %dma_start3A_223 = tpu.memref_slice %dma_start3A_221[%add3A_220, %dma_start3A_222] : memref<32768x1024xf32, #tpu.memory_space<hbm>> -> memref<16x1024xf32, #tpu.memory_space<hbm>>
      %dma_start3A_224 = tpu.memref_reshape %arg4 : memref<8192x4x1024xf32, #tpu.memory_space<hbm>> -> memref<32768x1024xf32, #tpu.memory_space<hbm>>
      %dma_start3A_225 = arith.constant 0 : i32
      %dma_start3A_226 = tpu.memref_slice %dma_start3A_224[%add3A_220, %dma_start3A_225] : memref<32768x1024xf32, #tpu.memory_space<hbm>> -> memref<16x1024xf32, #tpu.memory_space<hbm>>
      tpu.enqueue_dma source(%arg6 : memref<16x1024xf32, #tpu.memory_space<vmem>>) target(%dma_start3A_226 : memref<16x1024xf32, #tpu.memory_space<hbm>>) target_semaphore(%arg14 : memref<!tpu.dma_semaphore, #tpu.memory_space<semaphore_mem>>)
    }
    %scan3A_37 = arith.constant 15 : i32
    %dma_wait3A_38 = arith.constant 0 : i32
    %dma_wait3A_39 = tpu.memref_slice %arg5[%dma_wait3A_38] : memref<1024xi32, #tpu.memory_space<vmem>> -> memref<16xi32, #tpu.memory_space<vmem>>
    %dma_wait3A_40 = arith.constant 0 : i32
    %dma_wait3A_41 = arith.constant 0 : i32
    %dma_wait3A_42 = tpu.memref_slice %arg2[%dma_wait3A_40, %dma_wait3A_41] : memref<1920x1024xf32, #tpu.memory_space<hbm>> -> memref<1920x1024xf32, #tpu.memory_space<hbm>>
    tpu.wait_indirect_dma semaphore(%arg11 : memref<!tpu.dma_semaphore, #tpu.memory_space<semaphore_mem>>) src(%dma_wait3A_42 : memref<1920x1024xf32, #tpu.memory_space<hbm>>) dst(%arg7 : memref<16x1024xf32, #tpu.memory_space<vmem>>)
    %add3A_43 = arith.constant 976 : i32
    %add3A_44 = arith.addi %mul3A_2, %add3A_43 : i32
    %dma_start3A_45 = tpu.memref_reshape %arg4 : memref<8192x4x1024xf32, #tpu.memory_space<hbm>> -> memref<32768x1024xf32, #tpu.memory_space<hbm>>
    %dma_start3A_46 = arith.constant 0 : i32
    %dma_start3A_47 = tpu.memref_slice %dma_start3A_45[%add3A_44, %dma_start3A_46] : memref<32768x1024xf32, #tpu.memory_space<hbm>> -> memref<16x1024xf32, #tpu.memory_space<hbm>>
    %dma_start3A_48 = tpu.memref_reshape %arg4 : memref<8192x4x1024xf32, #tpu.memory_space<hbm>> -> memref<32768x1024xf32, #tpu.memory_space<hbm>>
    %dma_start3A_49 = arith.constant 0 : i32
    %dma_start3A_50 = tpu.memref_slice %dma_start3A_48[%add3A_44, %dma_start3A_49] : memref<32768x1024xf32, #tpu.memory_space<hbm>> -> memref<16x1024xf32, #tpu.memory_space<hbm>>
    tpu.enqueue_dma source(%arg7 : memref<16x1024xf32, #tpu.memory_space<vmem>>) target(%dma_start3A_50 : memref<16x1024xf32, #tpu.memory_space<hbm>>) target_semaphore(%arg15 : memref<!tpu.dma_semaphore, #tpu.memory_space<semaphore_mem>>)
    %dma_wait3A_51 = arith.constant 0 : i32
    %dma_wait3A_52 = tpu.memref_slice %arg5[%dma_wait3A_51] : memref<1024xi32, #tpu.memory_space<vmem>> -> memref<16xi32, #tpu.memory_space<vmem>>
    %dma_wait3A_53 = arith.constant 0 : i32
    %dma_wait3A_54 = arith.constant 0 : i32
    %dma_wait3A_55 = tpu.memref_slice %arg2[%dma_wait3A_53, %dma_wait3A_54] : memref<1920x1024xf32, #tpu.memory_space<hbm>> -> memref<1920x1024xf32, #tpu.memory_space<hbm>>
    tpu.wait_indirect_dma semaphore(%arg12 : memref<!tpu.dma_semaphore, #tpu.memory_space<semaphore_mem>>) src(%dma_wait3A_55 : memref<1920x1024xf32, #tpu.memory_space<hbm>>) dst(%arg8 : memref<16x1024xf32, #tpu.memory_space<vmem>>)
    %add3A_56 = arith.constant 992 : i32
    %add3A_57 = arith.addi %mul3A_2, %add3A_56 : i32
    %dma_start3A_58 = tpu.memref_reshape %arg4 : memref<8192x4x1024xf32, #tpu.memory_space<hbm>> -> memref<32768x1024xf32, #tpu.memory_space<hbm>>
    %dma_start3A_59 = arith.constant 0 : i32
    %dma_start3A_60 = tpu.memref_slice %dma_start3A_58[%add3A_57, %dma_start3A_59] : memref<32768x1024xf32, #tpu.memory_space<hbm>> -> memref<16x1024xf32, #tpu.memory_space<hbm>>
    %dma_start3A_61 = tpu.memref_reshape %arg4 : memref<8192x4x1024xf32, #tpu.memory_space<hbm>> -> memref<32768x1024xf32, #tpu.memory_space<hbm>>
    %dma_start3A_62 = arith.constant 0 : i32
    %dma_start3A_63 = tpu.memref_slice %dma_start3A_61[%add3A_57, %dma_start3A_62] : memref<32768x1024xf32, #tpu.memory_space<hbm>> -> memref<16x1024xf32, #tpu.memory_space<hbm>>
    tpu.enqueue_dma source(%arg8 : memref<16x1024xf32, #tpu.memory_space<vmem>>) target(%dma_start3A_63 : memref<16x1024xf32, #tpu.memory_space<hbm>>) target_semaphore(%arg16 : memref<!tpu.dma_semaphore, #tpu.memory_space<semaphore_mem>>)
    %dma_wait3A_64 = arith.constant 0 : i32
    %dma_wait3A_65 = tpu.memref_slice %arg5[%dma_wait3A_64] : memref<1024xi32, #tpu.memory_space<vmem>> -> memref<16xi32, #tpu.memory_space<vmem>>
    %dma_wait3A_66 = arith.constant 0 : i32
    %dma_wait3A_67 = arith.constant 0 : i32
    %dma_wait3A_68 = tpu.memref_slice %arg2[%dma_wait3A_66, %dma_wait3A_67] : memref<1920x1024xf32, #tpu.memory_space<hbm>> -> memref<1920x1024xf32, #tpu.memory_space<hbm>>
    tpu.wait_indirect_dma semaphore(%arg13 : memref<!tpu.dma_semaphore, #tpu.memory_space<semaphore_mem>>) src(%dma_wait3A_68 : memref<1920x1024xf32, #tpu.memory_space<hbm>>) dst(%arg9 : memref<16x1024xf32, #tpu.memory_space<vmem>>)
    %add3A_69 = arith.constant 1008 : i32
    %add3A_70 = arith.addi %mul3A_2, %add3A_69 : i32
    %dma_start3A_71 = tpu.memref_reshape %arg4 : memref<8192x4x1024xf32, #tpu.memory_space<hbm>> -> memref<32768x1024xf32, #tpu.memory_space<hbm>>
    %dma_start3A_72 = arith.constant 0 : i32
    %dma_start3A_73 = tpu.memref_slice %dma_start3A_71[%add3A_70, %dma_start3A_72] : memref<32768x1024xf32, #tpu.memory_space<hbm>> -> memref<16x1024xf32, #tpu.memory_space<hbm>>
    %dma_start3A_74 = tpu.memref_reshape %arg4 : memref<8192x4x1024xf32, #tpu.memory_space<hbm>> -> memref<32768x1024xf32, #tpu.memory_space<hbm>>
    %dma_start3A_75 = arith.constant 0 : i32
    %dma_start3A_76 = tpu.memref_slice %dma_start3A_74[%add3A_70, %dma_start3A_75] : memref<32768x1024xf32, #tpu.memory_space<hbm>> -> memref<16x1024xf32, #tpu.memory_space<hbm>>
    tpu.enqueue_dma source(%arg9 : memref<16x1024xf32, #tpu.memory_space<vmem>>) target(%dma_start3A_76 : memref<16x1024xf32, #tpu.memory_space<hbm>>) target_semaphore(%arg17 : memref<!tpu.dma_semaphore, #tpu.memory_space<semaphore_mem>>)
    %dma_wait3A_77 = tpu.memref_reshape %arg4 : memref<8192x4x1024xf32, #tpu.memory_space<hbm>> -> memref<32768x1024xf32, #tpu.memory_space<hbm>>
    %dma_wait3A_78 = arith.constant 0 : i32
    %dma_wait3A_79 = tpu.memref_slice %dma_wait3A_77[%mul3A_2, %dma_wait3A_78] : memref<32768x1024xf32, #tpu.memory_space<hbm>> -> memref<16x1024xf32, #tpu.memory_space<hbm>>
    %dma_wait3A_80 = tpu.memref_reshape %arg4 : memref<8192x4x1024xf32, #tpu.memory_space<hbm>> -> memref<32768x1024xf32, #tpu.memory_space<hbm>>
    %dma_wait3A_81 = arith.constant 0 : i32
    %dma_wait3A_82 = tpu.memref_slice %dma_wait3A_80[%mul3A_2, %dma_wait3A_81] : memref<32768x1024xf32, #tpu.memory_space<hbm>> -> memref<16x1024xf32, #tpu.memory_space<hbm>>
    tpu.wait_dma2 semaphore(%arg14 : memref<!tpu.dma_semaphore, #tpu.memory_space<semaphore_mem>>) src(%arg6 : memref<16x1024xf32, #tpu.memory_space<vmem>>) dst(%dma_wait3A_82 : memref<16x1024xf32, #tpu.memory_space<hbm>>)
    %dma_wait3A_83 = tpu.memref_reshape %arg4 : memref<8192x4x1024xf32, #tpu.memory_space<hbm>> -> memref<32768x1024xf32, #tpu.memory_space<hbm>>
    %dma_wait3A_84 = arith.constant 0 : i32
    %dma_wait3A_85 = tpu.memref_slice %dma_wait3A_83[%mul3A_2, %dma_wait3A_84] : memref<32768x1024xf32, #tpu.memory_space<hbm>> -> memref<16x1024xf32, #tpu.memory_space<hbm>>
    %dma_wait3A_86 = tpu.memref_reshape %arg4 : memref<8192x4x1024xf32, #tpu.memory_space<hbm>> -> memref<32768x1024xf32, #tpu.memory_space<hbm>>
    %dma_wait3A_87 = arith.constant 0 : i32
    %dma_wait3A_88 = tpu.memref_slice %dma_wait3A_86[%mul3A_2, %dma_wait3A_87] : memref<32768x1024xf32, #tpu.memory_space<hbm>> -> memref<16x1024xf32, #tpu.memory_space<hbm>>
    tpu.wait_dma2 semaphore(%arg15 : memref<!tpu.dma_semaphore, #tpu.memory_space<semaphore_mem>>) src(%arg7 : memref<16x1024xf32, #tpu.memory_space<vmem>>) dst(%dma_wait3A_88 : memref<16x1024xf32, #tpu.memory_space<hbm>>)
    %dma_wait3A_89 = tpu.memref_reshape %arg4 : memref<8192x4x1024xf32, #tpu.memory_space<hbm>> -> memref<32768x1024xf32, #tpu.memory_space<hbm>>
    %dma_wait3A_90 = arith.constant 0 : i32
    %dma_wait3A_91 = tpu.memref_slice %dma_wait3A_89[%mul3A_2, %dma_wait3A_90] : memref<32768x1024xf32, #tpu.memory_space<hbm>> -> memref<16x1024xf32, #tpu.memory_space<hbm>>
    %dma_wait3A_92 = tpu.memref_reshape %arg4 : memref<8192x4x1024xf32, #tpu.memory_space<hbm>> -> memref<32768x1024xf32, #tpu.memory_space<hbm>>
    %dma_wait3A_93 = arith.constant 0 : i32
    %dma_wait3A_94 = tpu.memref_slice %dma_wait3A_92[%mul3A_2, %dma_wait3A_93] : memref<32768x1024xf32, #tpu.memory_space<hbm>> -> memref<16x1024xf32, #tpu.memory_space<hbm>>
    tpu.wait_dma2 semaphore(%arg16 : memref<!tpu.dma_semaphore, #tpu.memory_space<semaphore_mem>>) src(%arg8 : memref<16x1024xf32, #tpu.memory_space<vmem>>) dst(%dma_wait3A_94 : memref<16x1024xf32, #tpu.memory_space<hbm>>)
    %dma_wait3A_95 = tpu.memref_reshape %arg4 : memref<8192x4x1024xf32, #tpu.memory_space<hbm>> -> memref<32768x1024xf32, #tpu.memory_space<hbm>>
    %dma_wait3A_96 = arith.constant 0 : i32
    %dma_wait3A_97 = tpu.memref_slice %dma_wait3A_95[%mul3A_2, %dma_wait3A_96] : memref<32768x1024xf32, #tpu.memory_space<hbm>> -> memref<16x1024xf32, #tpu.memory_space<hbm>>
    %dma_wait3A_98 = tpu.memref_reshape %arg4 : memref<8192x4x1024xf32, #tpu.memory_space<hbm>> -> memref<32768x1024xf32, #tpu.memory_space<hbm>>
    %dma_wait3A_99 = arith.constant 0 : i32
    %dma_wait3A_100 = tpu.memref_slice %dma_wait3A_98[%mul3A_2, %dma_wait3A_99] : memref<32768x1024xf32, #tpu.memory_space<hbm>> -> memref<16x1024xf32, #tpu.memory_space<hbm>>
    tpu.wait_dma2 semaphore(%arg17 : memref<!tpu.dma_semaphore, #tpu.memory_space<semaphore_mem>>) src(%arg9 : memref<16x1024xf32, #tpu.memory_space<vmem>>) dst(%dma_wait3A_100 : memref<16x1024xf32, #tpu.memory_space<hbm>>)
    return
  }
}

</mosaic_0001>

<sc_bundles>
// kernel: kernel.3.cloned.1.call-start
scs
__scs_entry_jumppad:
0x0: {  	(pc) =	sbr.rel $0x88, $3  }
0x1: {  	(tag) =	ssettag $0x0;
	lr =	simm.s32 $0x1  }
0x2: {  	[smem:$0x3F9F] =	sst lr;
	_ =	strace $0xD0000000  }
0x3: {  	_ = 	snop  }
0x4: {  	_ = 	snop  }
0x5: {  	_ = 	snop  }
0x6: {  	_ = 	snop  }
0x7: {  	_ = 	snop  }
__scs_overlays_trampoline_lowered:
0x8: {  	[smem:$0x3FAE] =	sst s0  }
0x9: {  	[smem:$0x3FAF] =	sst s1  }
0xa: {  	[smem:$0x3FB0] =	sst s2  }
0xb: {  	[smem:$0x3FB1] =	sst s3  }
0xc: {  	[smem:$0x3FB2] =	sst s4  }
0xd: {  	[smem:$0x3FB3] =	sst s5  }
0xe: {  	[smem:$0x3FB4] =	sst s6  }
0xf: {  	[smem:$0x3FB5] =	sst s7  }
0x10: {  	[smem:$0x3FB6] =	sst s8  }
0x11: {  	[smem:$0x3FB7] =	sst s9;
	s0 =	simm.s32 @!p0 $0x0  }
0x12: {  	s1 =	sld [smem:$0x3F9D];
	s0 =	simm.s32 @p0 $0x1  }
0x13: {  	[smem:$0x3FB8] =	sst s0;
	s0 =	simm.s32 @!p1 $0x0  }
0x14: {  	s2 =	sld [smem:$0x3F9C];
	s0 =	simm.s32 @p1 $0x1  }
0x15: {  	[smem:$0x3FB9] =	sst s0;
	s0 =	simm.s32 @!p2 $0x0  }
0x16: {  	s3 =	sld [smem:$0x3FDB];
	s0 =	simm.s32 @p2 $0x1  }
0x17: {  	s4 =	simm.s32 $0x1BF5;
	[smem:$0x3FBB] =	sst s0  }
0x18: {  	s0 =	sld [smem:$0x3F9E];
	_ =	swait.ge [sflag:s4], $0x0  }
0x19: {  	s7 =	sld [smem:$0x3F9F]  }
0x1a: {  	s8 =	sadd.s32 $0xFFFFE003, lr  }
0x1b: {  	s9 =	sadd.s32 $0xFFFFFEF7, lr;
	s5 =	simm.s32 $0xFFFFFFFF;
	p2 =	slt.u32 s8, $0xFFFFF086  }
0x1c: {  	p1 =	slt.u32 s9, $0xF7A;
	s5 =	simm.s32 @!p2 $0x0  }
0x1d: {  	s5 =	simm.s32 @p1 $0x1;
	p0 =	seq.s32 s7, s2  }
0x1e: {  	s7 =	smul.u32 @!p0 $0xF7A, s2;
	p2 =	seq.s32 @!p0 s5, $0x0  }
0x1f: {  	s9 =	smul.u32 $0xF7A, s1;
	s8 =	simm.s32 @!p0 $0x1BF5;
	p2 =	por !p2, p0  }
0x20: {  	[sflag:s8] =	ssyncset.s32 @!p0 $0xFFFFF086;
	s6 =	sadd.s32 @!p0 s3, s7;
	s7 =	simm.s32 @!p0 $0x108  }
0x21: {  	s3 =	sadd.s32 s3, s9;
	s6 =	sadd.s32 @!p0 $0x88, s6;
	s7 =	simm.s32 @p2 $0x1082  }
0x22: {  	[simem:s7], [sflag:s8] =	dma.local @!p0 [hbm:s6], $0xF7A  }
0x23: {  	s9 =	sor.u32 $0xD0000000, s2;
	s6 =	simm.s32 $0x108;
	_ =	swait.ge @!p0 [sflag:s8], $0x0  }
0x24: {  	s3 =	sadd.s32 $0x88, s3;
	s6 =	simm.s32 @!p1 $0x1082;
	[sflag:s4] =	ssyncset.s32 $0xFFFFF086  }
0x25: {  	[simem:s6], [sflag:s4] =	dma.local [hbm:s3], $0xF7A  }
0x26: {  	[smem:$0x3F9F] =	sst s1;
	(tag) =	ssettag s2;
	_ =	strace s9  }
0x27: {  	s1 =	sld [smem:$0x3FAF]  }
0x28: {  	s2 =	sld [smem:$0x3FB0]  }
0x29: {  	s4 =	sld [smem:$0x3FB2]  }
0x2a: {  	p0 =	seq.s32 s5, $0x0;
	s5 =	sld [smem:$0x3FB3]  }
0x2b: {  	s6 =	sld [smem:$0x3FB4]  }
0x2c: {  	s7 =	sld [smem:$0x3FB5]  }
0x2d: {  	s3 =	simm.s32 $0x108;
	s8 =	sld [smem:$0x3FB6]  }
0x2e: {  	s3 =	simm.s32 @!p0 $0x1082;
	s9 =	sld [smem:$0x3FB7]  }
0x2f: {  	lr =	sadd.s32 s0, s3;
	s0 =	sld [smem:$0x3FAE]  }
0x30: {  	s3 =	sld [smem:$0x3FB1]  }
0x31: {  	[smem:$0x3FBA] =	sst s10  }
0x32: {  	s10 =	sld [smem:$0x3FB8];
	_ =	sdelay $0x3  }
0x33: {  	p0 =	seq.s32 s10, $0x1;
	s10 =	sld [smem:$0x3FBA];
	_ =	sdelay $0x3  }
0x34: {  	[smem:$0x3FBA] =	sst s10  }
0x35: {  	s10 =	sld [smem:$0x3FB9];
	_ =	sdelay $0x3  }
0x36: {  	p1 =	seq.s32 s10, $0x1;
	s10 =	sld [smem:$0x3FBA];
	_ =	sdelay $0x3  }
0x37: {  	[smem:$0x3FBA] =	sst s10  }
0x38: {  	s10 =	sld [smem:$0x3FBB]  }
0x39: {  	_ = 	snop;
	(pc) =	sbr.ind lr, $3  }
0x3a: {  	_ = 	snop  }
0x3b: {  	_ = 	snop  }
0x3c: {  	p2 =	seq.s32 s10, $0x1;
	s10 =	sld [smem:$0x3FBA]  }
0x3d: {  	_ =	shalt  }
0x3e: {  	_ =	shalt  }
0x3f: {  	_ =	shalt  }
0x40: {  	_ =	shalt  }
0x41: {  	_ =	shalt  }
0x42: {  	_ =	shalt  }
0x43: {  	_ =	shalt  }
0x44: {  	_ =	shalt  }
0x45: {  	_ =	shalt  }
0x46: {  	_ =	shalt  }
0x47: {  	_ =	shalt  }
0x48: {  	_ =	shalt  }
0x49: {  	_ =	shalt  }
0x4a: {  	_ =	shalt  }
0x4b: {  	_ =	shalt  }
0x4c: {  	_ =	shalt  }
0x4d: {  	_ =	shalt  }
0x4e: {  	_ =	shalt  }
0x4f: {  	_ =	shalt  }
0x50: {  	_ =	shalt  }
0x51: {  	_ =	shalt  }
0x52: {  	_ =	shalt  }
0x53: {  	_ =	shalt  }
0x54: {  	_ =	shalt  }
0x55: {  	_ =	shalt  }
0x56: {  	_ =	shalt  }
0x57: {  	_ =	shalt  }
0x58: {  	_ =	shalt  }
0x59: {  	_ =	shalt  }
0x5a: {  	_ =	shalt  }
0x5b: {  	_ =	shalt  }
0x5c: {  	_ =	shalt  }
0x5d: {  	_ =	shalt  }
0x5e: {  	_ =	shalt  }
0x5f: {  	_ =	shalt  }
0x60: {  	_ =	shalt  }
0x61: {  	_ =	shalt  }
0x62: {  	_ =	shalt  }
0x63: {  	_ =	shalt  }
0x64: {  	_ =	shalt  }
0x65: {  	_ =	shalt  }
0x66: {  	_ =	shalt  }
0x67: {  	_ =	shalt  }
0x68: {  	_ =	shalt  }
0x69: {  	_ =	shalt  }
0x6a: {  	_ =	shalt  }
0x6b: {  	_ =	shalt  }
0x6c: {  	_ =	shalt  }
0x6d: {  	_ =	shalt  }
0x6e: {  	_ =	shalt  }
0x6f: {  	_ =	shalt  }
0x70: {  	_ =	shalt  }
0x71: {  	_ =	shalt  }
0x72: {  	_ =	shalt  }
0x73: {  	_ =	shalt  }
0x74: {  	_ =	shalt  }
0x75: {  	_ =	shalt  }
0x76: {  	_ =	shalt  }
0x77: {  	_ =	shalt  }
0x78: {  	_ =	shalt  }
0x79: {  	_ =	shalt  }
0x7a: {  	_ =	shalt  }
0x7b: {  	_ =	shalt  }
0x7c: {  	_ =	shalt  }
0x7d: {  	_ =	shalt  }
0x7e: {  	_ =	shalt  }
0x7f: {  	_ =	shalt  }
0x80: {  	_ =	shalt  }
0x81: {  	_ =	shalt  }
0x82: {  	_ =	shalt  }
0x83: {  	_ =	shalt  }
0x84: {  	_ =	shalt  }
0x85: {  	_ =	shalt  }
0x86: {  	_ =	shalt  }
0x87: {  	_ =	shalt  }
.Lfunc_end0:
.L_simem_size_0:
called_computation_lowered:
.L_overlay_start_0:
0x88: {  	s2 =	sld [smem:$0x3FD9]  }
0x89: {  	s3 =	sld [smem:$0x3FFE];
	_ =	sdelay $0x1  }
0x8a: {  	s1 =	srdreg.scid  }
0x8b: {  	s0 =	sand.u32 $0x1, s1  }
0x8c: {  	s17 =	sshll.u32 s0, $0xA;
	s2 =	sadd.s32 s3, s2  }
0x8d: {  	s2 =	sadd.s32 s2, s17  }
0x8e: {  	[smem:$0x3FC6] =	sst s2  }
0x8f: {  	_ = 	snop  }
0x90: {  	s2 =	sld [smem:$0x3FD0];
	(tm) =	ssettm $0x1  }
0x91: {  	s18 =	sld [smem:$0x3FFB];
	_ =	sdelay $0x3  }
0x92: {  	_ =	strace s18  }
0x93: {  	s3 =	sld [smem:$0x3FFC];
	_ =	sdelay $0x3  }
0x94: {  	_ =	strace s3  }
0x95: {  	s3 =	sld [smem:$0x3FFD];
	_ =	sdelay $0x3  }
0x96: {  	_ =	strace s3  }
0x97: {  	_ =	strace $0x8FFFFFFF  }
0x98: {  	s19 =	sld [smem:$0x3FDB];
	_ =	sdelay $0x1  }
0x99: {  	s4 =	simm.s32 $_scs_section_size  }
0x9a: {  	s5 =	simm.s32 $_size__tile_overlayer_lowered;
	s6 =	simm.s32 $_tile_overlayer_lowered  }
0x9b: {  	s22 =	simm.s32 $0x1BFF;
	s21 =	sshll.u32 s6, $0x1;
	s3 =	sadd.s32 s4, s19  }
0x9c: {  	s7 =	simm.s32 $0x0;
	s20 =	sshll.u32 s5, $0x1;
	s5 =	sadd.s32 s21, s3  }
0x9d: {  	[timem:s7], [sflag:s22] =	dma.local [hbm:s5], s20  }
0x9e: {  	_ =	swait.ge [sflag:s22], s20  }
0x9f: {  	s4 =	ssub.s32 $0x0, s20;
	[sflag:s22] =	ssyncset.done $0x0  }
0xa0: {  	[sflag:s22] =	ssyncadd.s32 s4;
	_ =	sdelay $0x1  }
0xa1: {  	s23 =	simm.s32 $0x1B8B  }
0xa2: {  	_ =	swait.ge [sflag:s23], $0x1  }
0xa3: {  	[sflag:s23] =	ssyncset.done $0x0  }
0xa4: {  	s25 =	simm.s32 $0x1B8E;
	s24 =	sld [smem:$0x3FFE];
	[sflag:s23] =	ssyncadd.s32 $0xFFFFFFFF  }
0xa5: {  	s26 =	simm.s32 $execute0_lowered;
	[smem:$0x3FD2] =	sst s25  }
0xa6: {  	s5 =	sshll.u32 s26, $0x1;
	_ =	strace $0x80000046;
	[dreg:$0x1] =	wrdreg $0xFFFFFFFF  }
0xa7: {  	s28 =	simm.s32 $_size_execute0_lowered;
	s3 =	sadd.s32 s3, s5;
	[dreg:$0x0] =	wrdreg $0x0  }
0xa8: {  	s5 =	sshll.u32 s28, $0x1;
	[dreg:$0x2] =	wrdreg s3  }
0xa9: {  	[dreg:$0x3] =	wrdreg s5  }
0xaa: {  	[dreg:$0x4] =	wrdreg $0xC0  }
0xab: {  	_ =	task [dreg:s7], $0x5FFFF  }
0xac: {  	[dreg:$0x1] =	wrdreg $0xFFFFFFFF  }
0xad: {  	[dreg:$0x0] =	wrdreg $0x60  }
0xae: {  	[dreg:$0x2] =	wrdreg s24  }
0xaf: {  	[dreg:$0x3] =	wrdreg s2  }
0xb0: {  	[dreg:$0x4] =	wrdreg $0x9  }
0xb1: {  	_ =	task.clear_ibuf [dreg:s7], $0x5FFFF;
	_ =	strace $0x90000046  }
0xb2: {  	s29 =	simm.s32 $0x9;
	_ =	strace $0x80000048  }
0xb3: {  	_ =	swait.ge [sflag:s29], $0x1  }
0xb4: {  	[sflag:s29] =	ssyncadd.s32 $0xFFFFFFFF  }
0xb5: {  	_ =	strace $0x90000048  }
0xb6: {  	_ =	sfence  }
0xb7: {  	s30 =	sld [smem:$0x0];
	_ =	sdelay $0x2  }
0xb8: {  	s31 =	sshll.u32 s1, $0xD;
	s1 =	sshrl.u32 s1, $0x2  }
0xb9: {  	s3 =	sand.u32 $0x4000, s31;
	s1 =	sadd.s32 s1, s30  }
0xba: {  	s0 =	sor.u32 s3, s0;
	s1 =	sshll.u32 s1, $0x11  }
0xbb: {  	s0 =	sor.u32 s1, s0  }
0xbc: {  	s0 =	sadd.s32 $0x8F2B, s0  }
0xbd: {  	[sflag:s0] =	ssyncadd.remote.s32 $0x1  }
0xbe: {  	_ =	sfence.sel $0xFFFF  }
0xbf: {  	[dreg:$0x0] =	wrdreg $0xFFFFFFFF;
	(pc) =	sbr.abs _section_cstart, $3  }
0xc0: {  	[dreg:$0x1] =	wrdreg $0xFFFFFFFF  }
0xc1: {  	_ =	task.clear_ibuf [dreg:s7], $0x2FFFF;
	_ =	strace $0x9FFFFFFF  }
0xc2: {  	(tm) =	ssettm $0x7FFFFFFF  }
0xc3: {  	_ =	shalt  }
tec
execute0_lowered:
.L_overlay_start_1:
0x0: {  	(tag) =	ssettag $0x1  }
0x1: {  	s0 =	rddreg [dreg:$0x0]  }
0x2: {  	s1 =	rddreg [dreg:$0x1]  }
0x3: {  	s2 =	srdreg.scid;
	s10 =	stileid.u32;
	s31 =	simm.s32 $0xC00  }
0x4: {  	s28 =	simm.s32 $0x8C00;
	s29 =	simm.s32 $0x9400;
	s30 =	simm.s32 $0x9C00  }
0x5: {  	s13 =	simm.s32 $0xA400;
	s12 =	simm.s32 $0xB400;
	s11 =	simm.s32 $0xCC00  }
0x6: {  	s15 =	simm.s32 $0xD400;
	s14 =	simm.s32 $0xDC00;
	s4 =	sand.u32 $0x1, s2  }
0x7: {  	s2 =	simm.s32 $0x0;
	s3 =	sshll.u32 s10, $0xB;
	s19 =	sshll.u32 s10, $0x12  }
0x8: {  	s10 =	simm.s32 $0xC400;
	s5 =	sshll.u32 s4, $0xA;
	[smem:$0x7FF] =	sst s2  }
0x9: {  	s16 =	ssub.s32 $0x2, s4;
	s21 =	sadd.s32 s19, s1;
	s22 =	sshll.u32 s4, $0x11  }
0xa: {  	s4 =	simm.s32 $0x400;
	s19 =	simm.s32 $0xFC00;
	s8 =	sor.u32 s5, s3  }
0xb: {  	_ =	strace $0x80000047;
	s7 =	sshrl.u32 s16, $0x1;
	s3 =	sadd.s32 $0x1600, s0  }
0xc: {  	s5 =	sadd.s32 $0x1700, s0;
	s6 =	sshrl.u32 s8, $0x3;
	s9 =	ssub.s32 s16, s7  }
0xd: {  	s7 =	sadd.s32 $0x1900, s0;
	s18 =	sshll.u32 s8, $0x7;
	s8 =	simm.s32 $0xBC00  }
0xe: {  	s16 =	simm.s32 $0xE400;
	s6 =	sadd.s32 s6, s0;
	s20 =	sadd.s32 s1, s18  }
0xf: {  	s26 =	smax.u32 s9, $0x1;
	s9 =	simm.s32 $0xAC00;
	[dreg:$0x5] =	wrdreg s20  }
0x10: {  	s18 =	simm.s32 $0xF400;
	s17 =	sadd.s32 $0x600, s6;
	[dreg:$0x9] =	wrdreg s26  }
0x11: {  	s1 =	simm.s32 $0x0;
	s23 =	sadd.s32 $0x1E800, s20;
	[dreg:$0x4] =	wrdreg s17  }
0x12: {  	s6 =	sadd.s32 $0x1800, s0;
	s24 =	sadd.s32 $0x1F000, s20;
	[dreg:$0x6] =	wrdreg s23  }
0x13: {  	s0 =	sadd.s32 s22, s21;
	s25 =	sadd.s32 $0x1F800, s20;
	[dreg:$0x7] =	wrdreg s24  }
0x14: {  	v2 =	vlaneseq.u32;
	s26 =	simm.s32 $0x8400;
	s20 =	simm.s32 $0x1;
	[dreg:$0x8] =	wrdreg s25  }
0x15: {  	vm0 =	vmmov $0xffff;
	v1 =	vshrl.u32 v2, $0x3;
	s21 =	simm.s32 $0x200;
	s22 =	simm.s32 $0x1000;
	[dreg:$0x3] =	wrdreg s0  }
0x16: {  	v0 =	vand.u32 $0x7, v2;
	v2 =	vor.u32 $0x8, v2;
	v1 =	vmul.u32 $0x8, v1;
	s24 =	simm.s32 $0x7400;
	s25 =	simm.s32 $0x7C00;
	s17 =	simm.s32 $0xEC00  }
.LBB2_1:
0x17: {  	s0 =	rddreg [dreg:$0x4]  }
0x18: {  	[tilespmem:s2], [sflag:$0x9] =	stream.linear.gather [hbm4b:s0+s2], $0x400, $0x38;
	[tilespmem:$0x10400] =	vst v63  }
0x19: {  	[dreg:$0xa] =	wrdreg s1;
	s0 =	simm.s32 $0x9  }
0x1a: {  	_ =	swait.ge [sflag:s0], $0x400  }
0x1b: {  	[sflag:s0] =	ssyncset.done $0x0  }
0x1c: {  	[sflag:s0] =	ssyncadd.s32 $0xFFFFFC00  }
0x1d: {  	v3 =	vld [tilespmem:$0x0];
	_ =	sdelay $0x4  }
0x1e: {  	v4 =	vshll.u32 v3, $0x3  }
0x1f: {  	v3 =	vand.u32 $0x7, v3;
	v4 =	vand.u32 $0xFFFFFFC0, v4  }
0x20: {  	v3 =	vor.u32 v3, v4  }
0x21: {  	v4 =	vperm.xlane v3, v0;
	_ =	sdelay $0x1  }
0x22: {  	v4 =	vadd.s32 v1, v4;
	_ =	sdelay $0x4  }
0x23: {  	[tilespmem:s4], [sflag:$0x1] =	stream.indirect_vreg.gather [hbm4b:s3+s2], $0x80, v4, vm0, $0xb8;
	[tilespmem:$0x10400] =	vst v63  }
0x24: {  	v3 =	vperm.xlane v3, v2  }
0x25: {  	[tilespmem:s31], [sflag:$0x1] =	stream.indirect_vreg.gather [hbm4b:s5+s2], $0x80, v4, vm0, $0xb8;
	[tilespmem:$0x10400] =	vst v63  }
0x26: {  	s23 =	simm.s32 $0x1400;
	v3 =	vadd.s32 v1, v3  }
0x27: {  	[tilespmem:s23], [sflag:$0x1] =	stream.indirect_vreg.gather [hbm4b:s6+s2], $0x80, v4, vm0, $0xb8;
	[tilespmem:$0x10400] =	vst v63  }
0x28: {  	s1 =	simm.s32 $0x1C00  }
0x29: {  	[tilespmem:s1], [sflag:$0x1] =	stream.indirect_vreg.gather [hbm4b:s7+s2], $0x80, v4, vm0, $0xb8;
	[tilespmem:$0x10400] =	vst v63  }
0x2a: {  	s1 =	simm.s32 $0x2400  }
0x2b: {  	[tilespmem:s1], [sflag:$0x1] =	stream.indirect_vreg.gather [hbm4b:s3+s2], $0x80, v3, vm0, $0xb8;
	[tilespmem:$0x10400] =	vst v63  }
0x2c: {  	s23 =	simm.s32 $0x2C00  }
0x2d: {  	[tilespmem:s23], [sflag:$0x1] =	stream.indirect_vreg.gather [hbm4b:s5+s2], $0x80, v3, vm0, $0xb8;
	[tilespmem:$0x10400] =	vst v63  }
0x2e: {  	s1 =	simm.s32 $0x3400  }
0x2f: {  	[tilespmem:s1], [sflag:$0x1] =	stream.indirect_vreg.gather [hbm4b:s6+s2], $0x80, v3, vm0, $0xb8;
	[tilespmem:$0x10400] =	vst v63  }
0x30: {  	s23 =	simm.s32 $0x3C00  }
0x31: {  	[tilespmem:s23], [sflag:$0x1] =	stream.indirect_vreg.gather [hbm4b:s7+s2], $0x80, v3, vm0, $0xb8;
	[tilespmem:$0x10400] =	vst v63  }
0x32: {  	v3 =	vld [tilespmem:$0x10];
	_ =	sdelay $0x4  }
0x33: {  	v61 =	vshll.u32 v3, $0x3  }
0x34: {  	v3 =	vand.u32 $0x7, v3;
	v4 =	vand.u32 $0xFFFFFFC0, v61  }
0x35: {  	v3 =	vor.u32 v3, v4  }
0x36: {  	v4 =	vperm.xlane v3, v0;
	_ =	sdelay $0x1  }
0x37: {  	v4 =	vadd.s32 v1, v4;
	_ =	sdelay $0x3  }
0x38: {  	s1 =	simm.s32 $0x4400  }
0x39: {  	[tilespmem:s1], [sflag:$0x2] =	stream.indirect_vreg.gather [hbm4b:s3+s2], $0x80, v4, vm0, $0xb8;
	[tilespmem:$0x10400] =	vst v63  }
0x3a: {  	v3 =	vperm.xlane v3, v2;
	s1 =	simm.s32 $0x4C00  }
0x3b: {  	[tilespmem:s1], [sflag:$0x2] =	stream.indirect_vreg.gather [hbm4b:s5+s2], $0x80, v4, vm0, $0xb8;
	[tilespmem:$0x10400] =	vst v63  }
0x3c: {  	v3 =	vadd.s32 v1, v3;
	s1 =	simm.s32 $0x5400  }
0x3d: {  	[tilespmem:s1], [sflag:$0x2] =	stream.indirect_vreg.gather [hbm4b:s6+s2], $0x80, v4, vm0, $0xb8;
	[tilespmem:$0x10400] =	vst v63  }
0x3e: {  	s1 =	simm.s32 $0x5C00  }
0x3f: {  	[tilespmem:s1], [sflag:$0x2] =	stream.indirect_vreg.gather [hbm4b:s7+s2], $0x80, v4, vm0, $0xb8;
	[tilespmem:$0x10400] =	vst v63  }
0x40: {  	s1 =	simm.s32 $0x6400  }
0x41: {  	[tilespmem:s1], [sflag:$0x2] =	stream.indirect_vreg.gather [hbm4b:s3+s2], $0x80, v3, vm0, $0xb8;
	[tilespmem:$0x10400] =	vst v63  }
0x42: {  	s1 =	simm.s32 $0x6C00  }
0x43: {  	[tilespmem:s1], [sflag:$0x2] =	stream.indirect_vreg.gather [hbm4b:s5+s2], $0x80, v3, vm0, $0xb8;
	[tilespmem:$0x10400] =	vst v63  }
0x44: {  	_ = 	snop  }
0x45: {  	[tilespmem:s24], [sflag:$0x2] =	stream.indirect_vreg.gather [hbm4b:s6+s2], $0x80, v3, vm0, $0xb8;
	[tilespmem:$0x10400] =	vst v63  }
0x46: {  	_ = 	snop  }
0x47: {  	[tilespmem:s25], [sflag:$0x2] =	stream.indirect_vreg.gather [hbm4b:s7+s2], $0x80, v3, vm0, $0xb8;
	[tilespmem:$0x10400] =	vst v63  }
0x48: {  	v3 =	vld [tilespmem:$0x20];
	_ =	sdelay $0x4  }
0x49: {  	v62 =	vshll.u32 v3, $0x3  }
0x4a: {  	v3 =	vand.u32 $0x7, v3;
	v4 =	vand.u32 $0xFFFFFFC0, v62  }
0x4b: {  	v3 =	vor.u32 v3, v4  }
0x4c: {  	v4 =	vperm.xlane v3, v0;
	_ =	sdelay $0x1  }
0x4d: {  	v4 =	vadd.s32 v1, v4;
	_ =	sdelay $0x4  }
0x4e: {  	[tilespmem:s26], [sflag:$0x3] =	stream.indirect_vreg.gather [hbm4b:s3+s2], $0x80, v4, vm0, $0xb8;
	[tilespmem:$0x10400] =	vst v63  }
0x4f: {  	v3 =	vperm.xlane v3, v2  }
0x50: {  	[tilespmem:s28], [sflag:$0x3] =	stream.indirect_vreg.gather [hbm4b:s5+s2], $0x80, v4, vm0, $0xb8;
	[tilespmem:$0x10400] =	vst v63  }
0x51: {  	v3 =	vadd.s32 v1, v3  }
0x52: {  	[tilespmem:s29], [sflag:$0x3] =	stream.indirect_vreg.gather [hbm4b:s6+s2], $0x80, v4, vm0, $0xb8;
	[tilespmem:$0x10400] =	vst v63  }
0x53: {  	_ = 	snop  }
0x54: {  	[tilespmem:s30], [sflag:$0x3] =	stream.indirect_vreg.gather [hbm4b:s7+s2], $0x80, v4, vm0, $0xb8;
	[tilespmem:$0x10400] =	vst v63  }
0x55: {  	_ = 	snop  }
0x56: {  	[tilespmem:s13], [sflag:$0x3] =	stream.indirect_vreg.gather [hbm4b:s3+s2], $0x80, v3, vm0, $0xb8;
	[tilespmem:$0x10400] =	vst v63  }
0x57: {  	_ = 	snop  }
0x58: {  	[tilespmem:s9], [sflag:$0x3] =	stream.indirect_vreg.gather [hbm4b:s5+s2], $0x80, v3, vm0, $0xb8;
	[tilespmem:$0x10400] =	vst v63  }
0x59: {  	_ = 	snop  }
0x5a: {  	[tilespmem:s12], [sflag:$0x3] =	stream.indirect_vreg.gather [hbm4b:s6+s2], $0x80, v3, vm0, $0xb8;
	[tilespmem:$0x10400] =	vst v63  }
0x5b: {  	_ = 	snop  }
0x5c: {  	[tilespmem:s8], [sflag:$0x3] =	stream.indirect_vreg.gather [hbm4b:s7+s2], $0x80, v3, vm0, $0xb8;
	[tilespmem:$0x10400] =	vst v63  }
0x5d: {  	v3 =	vld [tilespmem:$0x30];
	_ =	sdelay $0x4  }
0x5e: {  	v63 =	vshll.u32 v3, $0x3  }
0x5f: {  	v3 =	vand.u32 $0x7, v3;
	v4 =	vand.u32 $0xFFFFFFC0, v63  }
0x60: {  	v3 =	vor.u32 v3, v4  }
0x61: {  	v4 =	vperm.xlane v3, v0;
	_ =	sdelay $0x1  }
0x62: {  	v4 =	vadd.s32 v1, v4;
	_ =	sdelay $0x4  }
0x63: {  	[tilespmem:s10], [sflag:$0x4] =	stream.indirect_vreg.gather [hbm4b:s3+s2], $0x80, v4, vm0, $0xb8;
	[tilespmem:$0x10400] =	vst v63  }
0x64: {  	v3 =	vperm.xlane v3, v2  }
0x65: {  	[tilespmem:s11], [sflag:$0x4] =	stream.indirect_vreg.gather [hbm4b:s5+s2], $0x80, v4, vm0, $0xb8;
	[tilespmem:$0x10400] =	vst v63  }
0x66: {  	v3 =	vadd.s32 v1, v3  }
0x67: {  	[tilespmem:s15], [sflag:$0x4] =	stream.indirect_vreg.gather [hbm4b:s6+s2], $0x80, v4, vm0, $0xb8;
	[tilespmem:$0x10400] =	vst v63  }
0x68: {  	_ = 	snop  }
0x69: {  	[tilespmem:s14], [sflag:$0x4] =	stream.indirect_vreg.gather [hbm4b:s7+s2], $0x80, v4, vm0, $0xb8;
	[tilespmem:$0x10400] =	vst v63  }
0x6a: {  	_ = 	snop  }
0x6b: {  	[tilespmem:s16], [sflag:$0x4] =	stream.indirect_vreg.gather [hbm4b:s3+s2], $0x80, v3, vm0, $0xb8;
	[tilespmem:$0x10400] =	vst v63  }
0x6c: {  	_ = 	snop  }
0x6d: {  	[tilespmem:s17], [sflag:$0x4] =	stream.indirect_vreg.gather [hbm4b:s5+s2], $0x80, v3, vm0, $0xb8;
	[tilespmem:$0x10400] =	vst v63  }
0x6e: {  	_ = 	snop  }
0x6f: {  	[tilespmem:s18], [sflag:$0x4] =	stream.indirect_vreg.gather [hbm4b:s6+s2], $0x80, v3, vm0, $0xb8;
	[tilespmem:$0x10400] =	vst v63  }
0x70: {  	_ = 	snop  }
0x71: {  	[tilespmem:s19], [sflag:$0x4] =	stream.indirect_vreg.gather [hbm4b:s7+s2], $0x80, v3, vm0, $0xb8;
	[tilespmem:$0x10400] =	vst v63  }
0x72: {  	_ =	swait.ge [sflag:s20], $0x4000  }
0x73: {  	[sflag:s20] =	ssyncset.done $0x0  }
0x74: {  	s1 =	rddreg [dreg:$0x5];
	[sflag:s20] =	ssyncadd.s32 $0xFFFFC000  }
0x75: {  	[hbm4b:s1+s21] =	stream.strided.scatter [tilespmem:s4], [sflag:$0x5], $0x400, s22, s21, $0x38;
	[tilespmem:$0x10400] =	vst v63  }
0x76: {  	s19 =	sadd.s32 $0x40, s1;
	s20 =	simm.s32 $0x800  }
0x77: {  	[hbm4b:s19+s21] =	stream.strided.scatter [tilespmem:s20], [sflag:$0x5], $0x400, s22, s21, $0x38;
	[tilespmem:$0x10400] =	vst v63  }
0x78: {  	s24 =	sadd.s32 $0x80, s1  }
0x79: {  	[hbm4b:s24+s21] =	stream.strided.scatter [tilespmem:s31], [sflag:$0x5], $0x400, s22, s21, $0x38;
	[tilespmem:$0x10400] =	vst v63  }
0x7a: {  	s25 =	sadd.s32 $0xC0, s1  }
0x7b: {  	[hbm4b:s25+s21] =	stream.strided.scatter [tilespmem:s22], [sflag:$0x5], $0x400, s22, s21, $0x38;
	[tilespmem:$0x10400] =	vst v63  }
0x7c: {  	s28 =	simm.s32 $0x1400;
	s26 =	sadd.s32 $0x100, s1  }
0x7d: {  	[hbm4b:s26+s21] =	stream.strided.scatter [tilespmem:s28], [sflag:$0x5], $0x400, s22, s21, $0x38;
	[tilespmem:$0x10400] =	vst v63  }
0x7e: {  	s30 =	simm.s32 $0x1800;
	s29 =	sadd.s32 $0x140, s1  }
0x7f: {  	[hbm4b:s29+s21] =	stream.strided.scatter [tilespmem:s30], [sflag:$0x5], $0x400, s22, s21, $0x38;
	[tilespmem:$0x10400] =	vst v63  }
0x80: {  	s9 =	simm.s32 $0x1C00;
	s8 =	sadd.s32 $0x180, s1  }
0x81: {  	[hbm4b:s8+s21] =	stream.strided.scatter [tilespmem:s9], [sflag:$0x5], $0x400, s22, s21, $0x38;
	[tilespmem:$0x10400] =	vst v63  }
0x82: {  	s11 =	simm.s32 $0x2000;
	s10 =	sadd.s32 $0x1C0, s1  }
0x83: {  	[hbm4b:s10+s21] =	stream.strided.scatter [tilespmem:s11], [sflag:$0x5], $0x400, s22, s21, $0x38;
	[tilespmem:$0x10400] =	vst v63  }
0x84: {  	s13 =	simm.s32 $0x2400;
	s12 =	sadd.s32 $0x400, s1  }
0x85: {  	[hbm4b:s12+s21] =	stream.strided.scatter [tilespmem:s13], [sflag:$0x5], $0x400, s22, s21, $0x38;
	[tilespmem:$0x10400] =	vst v63  }
0x86: {  	s15 =	simm.s32 $0x2800;
	s14 =	sadd.s32 $0x440, s1  }
0x87: {  	[hbm4b:s14+s21] =	stream.strided.scatter [tilespmem:s15], [sflag:$0x5], $0x400, s22, s21, $0x38;
	[tilespmem:$0x10400] =	vst v63  }
0x88: {  	s17 =	simm.s32 $0x2C00;
	s16 =	sadd.s32 $0x480, s1  }
0x89: {  	[hbm4b:s16+s21] =	stream.strided.scatter [tilespmem:s17], [sflag:$0x5], $0x400, s22, s21, $0x38;
	[tilespmem:$0x10400] =	vst v63  }
0x8a: {  	s18 =	sadd.s32 $0x4C0, s1;
	s19 =	simm.s32 $0x3000  }
0x8b: {  	[hbm4b:s18+s21] =	stream.strided.scatter [tilespmem:s19], [sflag:$0x5], $0x400, s22, s21, $0x38;
	[tilespmem:$0x10400] =	vst v63  }
0x8c: {  	s20 =	sadd.s32 $0x500, s1;
	s24 =	simm.s32 $0x3400  }
0x8d: {  	[hbm4b:s20+s21] =	stream.strided.scatter [tilespmem:s24], [sflag:$0x5], $0x400, s22, s21, $0x38;
	[tilespmem:$0x10400] =	vst v63  }
0x8e: {  	s25 =	sadd.s32 $0x540, s1;
	s26 =	simm.s32 $0x3800  }
0x8f: {  	[hbm4b:s25+s21] =	stream.strided.scatter [tilespmem:s26], [sflag:$0x5], $0x400, s22, s21, $0x38;
	[tilespmem:$0x10400] =	vst v63  }
0x90: {  	s0 =	simm.s32 $0x0;
	s23 =	simm.s32 $0x3C00;
	s28 =	sadd.s32 $0x580, s1  }
0x91: {  	[hbm4b:s28+s21] =	stream.strided.scatter [tilespmem:s23], [sflag:$0x5], $0x400, s22, s21, $0x38;
	[tilespmem:$0x10400] =	vst v63  }
0x92: {  	s31 =	simm.s32 $0x70;
	s29 =	sadd.s32 $0x5C0, s1;
	s30 =	simm.s32 $0x4000  }
0x93: {  	[hbm4b:s29+s21] =	stream.strided.scatter [tilespmem:s30], [sflag:$0x5], $0x400, s22, s21, $0x38;
	[tilespmem:$0x10400] =	vst v63  }
.LBB2_2:
0x94: {  	s1 =	simm.s32 $0x5  }
0x95: {  	_ =	swait.ge [sflag:s1], $0x4000  }
0x96: {  	[sflag:s1] =	ssyncset.done $0x0  }
0x97: {  	[sflag:s1] =	ssyncadd.s32 $0xFFFFC000  }
0x98: {  	v3 =	vld [tilespmem:s31+$0xFFFFFFD0];
	_ =	sdelay $0x4  }
0x99: {  	v4 =	vshll.u32 v3, $0x3  }
0x9a: {  	v3 =	vand.u32 $0x7, v3;
	v4 =	vand.u32 $0xFFFFFFC0, v4  }
0x9b: {  	v3 =	vor.u32 v3, v4  }
0x9c: {  	v4 =	vperm.xlane v3, v0;
	_ =	sdelay $0x1  }
0x9d: {  	v4 =	vadd.s32 v1, v4;
	_ =	sdelay $0x3  }
0x9e: {  	s13 =	simm.s32 $0x400  }
0x9f: {  	[tilespmem:s13], [sflag:$0x1] =	stream.indirect_vreg.gather [hbm4b:s3+s2], $0x80, v4, vm0, $0xb8;
	[tilespmem:$0x10400] =	vst v63  }
0xa0: {  	s14 =	simm.s32 $0xC00;
	v3 =	vperm.xlane v3, v2  }
0xa1: {  	[tilespmem:s14], [sflag:$0x1] =	stream.indirect_vreg.gather [hbm4b:s5+s2], $0x80, v4, vm0, $0xb8;
	[tilespmem:$0x10400] =	vst v63  }
0xa2: {  	s15 =	simm.s32 $0x1400;
	v3 =	vadd.s32 v1, v3  }
0xa3: {  	[tilespmem:s15], [sflag:$0x1] =	stream.indirect_vreg.gather [hbm4b:s6+s2], $0x80, v4, vm0, $0xb8;
	[tilespmem:$0x10400] =	vst v63  }
0xa4: {  	s16 =	simm.s32 $0x1C00  }
0xa5: {  	[tilespmem:s16], [sflag:$0x1] =	stream.indirect_vreg.gather [hbm4b:s7+s2], $0x80, v4, vm0, $0xb8;
	[tilespmem:$0x10400] =	vst v63  }
0xa6: {  	s17 =	simm.s32 $0x2400  }
0xa7: {  	[tilespmem:s17], [sflag:$0x1] =	stream.indirect_vreg.gather [hbm4b:s3+s2], $0x80, v3, vm0, $0xb8;
	[tilespmem:$0x10400] =	vst v63  }
0xa8: {  	s18 =	simm.s32 $0x2C00  }
0xa9: {  	[tilespmem:s18], [sflag:$0x1] =	stream.indirect_vreg.gather [hbm4b:s5+s2], $0x80, v3, vm0, $0xb8;
	[tilespmem:$0x10400] =	vst v63  }
0xaa: {  	s19 =	simm.s32 $0x3400  }
0xab: {  	[tilespmem:s19], [sflag:$0x1] =	stream.indirect_vreg.gather [hbm4b:s6+s2], $0x80, v3, vm0, $0xb8;
	[tilespmem:$0x10400] =	vst v63  }
0xac: {  	s20 =	simm.s32 $0x3C00;
	s4 =	simm.s32 $0x2  }
0xad: {  	[tilespmem:s20], [sflag:$0x1] =	stream.indirect_vreg.gather [hbm4b:s7+s2], $0x80, v3, vm0, $0xb8;
	[tilespmem:$0x10400] =	vst v63  }
0xae: {  	_ =	swait.ge [sflag:s4], $0x4000  }
0xaf: {  	s23 =	rddreg [dreg:$0x3]  }
0xb0: {  	[sflag:s4] =	ssyncset.done $0x0;
	s1 =	sadd.s32 s0, s23  }
0xb1: {  	s17 =	simm.s32 $0x4400;
	[sflag:s4] =	ssyncadd.s32 $0xFFFFC000;
	s24 =	sadd.s32 $0x800, s1  }
0xb2: {  	[hbm4b:s24+s21] =	stream.strided.scatter [tilespmem:s17], [sflag:$0x6], $0x400, s22, s21, $0x38;
	[tilespmem:$0x10400] =	vst v63  }
0xb3: {  	s8 =	simm.s32 $0x4800;
	s25 =	sadd.s32 $0x840, s1  }
0xb4: {  	[hbm4b:s25+s21] =	stream.strided.scatter [tilespmem:s8], [sflag:$0x6], $0x400, s22, s21, $0x38;
	[tilespmem:$0x10400] =	vst v63  }
0xb5: {  	s18 =	simm.s32 $0x4C00;
	s26 =	sadd.s32 $0x880, s1  }
0xb6: {  	[hbm4b:s26+s21] =	stream.strided.scatter [tilespmem:s18], [sflag:$0x6], $0x400, s22, s21, $0x38;
	[tilespmem:$0x10400] =	vst v63  }
0xb7: {  	s9 =	simm.s32 $0x5000;
	s8 =	sadd.s32 $0x8C0, s1  }
0xb8: {  	[hbm4b:s8+s21] =	stream.strided.scatter [tilespmem:s9], [sflag:$0x6], $0x400, s22, s21, $0x38;
	[tilespmem:$0x10400] =	vst v63  }
0xb9: {  	s19 =	simm.s32 $0x5400;
	s10 =	sadd.s32 $0x900, s1  }
0xba: {  	[hbm4b:s10+s21] =	stream.strided.scatter [tilespmem:s19], [sflag:$0x6], $0x400, s22, s21, $0x38;
	[tilespmem:$0x10400] =	vst v63  }
0xbb: {  	s12 =	simm.s32 $0x5800;
	s11 =	sadd.s32 $0x940, s1  }
0xbc: {  	[hbm4b:s11+s21] =	stream.strided.scatter [tilespmem:s12], [sflag:$0x6], $0x400, s22, s21, $0x38;
	[tilespmem:$0x10400] =	vst v63  }
0xbd: {  	s20 =	simm.s32 $0x5C00;
	s13 =	sadd.s32 $0x980, s1  }
0xbe: {  	[hbm4b:s13+s21] =	stream.strided.scatter [tilespmem:s20], [sflag:$0x6], $0x400, s22, s21, $0x38;
	[tilespmem:$0x10400] =	vst v63  }
0xbf: {  	s15 =	simm.s32 $0x6000;
	s14 =	sadd.s32 $0x9C0, s1  }
0xc0: {  	[hbm4b:s14+s21] =	stream.strided.scatter [tilespmem:s15], [sflag:$0x6], $0x400, s22, s21, $0x38;
	[tilespmem:$0x10400] =	vst v63  }
0xc1: {  	s23 =	simm.s32 $0x6400;
	s16 =	sadd.s32 $0xC00, s1  }
0xc2: {  	[hbm4b:s16+s21] =	stream.strided.scatter [tilespmem:s23], [sflag:$0x6], $0x400, s22, s21, $0x38;
	[tilespmem:$0x10400] =	vst v63  }
0xc3: {  	s24 =	sadd.s32 $0xC40, s1;
	s25 =	simm.s32 $0x6800  }
0xc4: {  	[hbm4b:s24+s21] =	stream.strided.scatter [tilespmem:s25], [sflag:$0x6], $0x400, s22, s21, $0x38;
	[tilespmem:$0x10400] =	vst v63  }
0xc5: {  	s26 =	sadd.s32 $0xC80, s1;
	s24 =	simm.s32 $0x6C00  }
0xc6: {  	[hbm4b:s26+s21] =	stream.strided.scatter [tilespmem:s24], [sflag:$0x6], $0x400, s22, s21, $0x38;
	[tilespmem:$0x10400] =	vst v63  }
0xc7: {  	s8 =	sadd.s32 $0xCC0, s1;
	s9 =	simm.s32 $0x7000  }
0xc8: {  	[hbm4b:s8+s21] =	stream.strided.scatter [tilespmem:s9], [sflag:$0x6], $0x400, s22, s21, $0x38;
	[tilespmem:$0x10400] =	vst v63  }
0xc9: {  	s10 =	sadd.s32 $0xD00, s1;
	s25 =	simm.s32 $0x7400  }
0xca: {  	[hbm4b:s10+s21] =	stream.strided.scatter [tilespmem:s25], [sflag:$0x6], $0x400, s22, s21, $0x38;
	[tilespmem:$0x10400] =	vst v63  }
0xcb: {  	s11 =	sadd.s32 $0xD40, s1;
	s12 =	simm.s32 $0x7800  }
0xcc: {  	[hbm4b:s11+s21] =	stream.strided.scatter [tilespmem:s12], [sflag:$0x6], $0x400, s22, s21, $0x38;
	[tilespmem:$0x10400] =	vst v63  }
0xcd: {  	s13 =	sadd.s32 $0xD80, s1;
	s26 =	simm.s32 $0x7C00  }
0xce: {  	[hbm4b:s13+s21] =	stream.strided.scatter [tilespmem:s26], [sflag:$0x6], $0x400, s22, s21, $0x38;
	[tilespmem:$0x10400] =	vst v63  }
0xcf: {  	s14 =	sadd.s32 $0xDC0, s1;
	s15 =	simm.s32 $0x8000;
	s16 =	simm.s32 $0x6  }
0xd0: {  	[hbm4b:s14+s21] =	stream.strided.scatter [tilespmem:s15], [sflag:$0x6], $0x400, s22, s21, $0x38;
	[tilespmem:$0x10400] =	vst v63  }
0xd1: {  	_ =	swait.ge [sflag:s16], $0x4000  }
0xd2: {  	[sflag:s16] =	ssyncset.done $0x0  }
0xd3: {  	[sflag:s16] =	ssyncadd.s32 $0xFFFFC000  }
0xd4: {  	v3 =	vld [tilespmem:s31+$0xFFFFFFE0];
	_ =	sdelay $0x4  }
0xd5: {  	v61 =	vshll.u32 v3, $0x3  }
0xd6: {  	v3 =	vand.u32 $0x7, v3;
	v4 =	vand.u32 $0xFFFFFFC0, v61  }
0xd7: {  	v3 =	vor.u32 v3, v4  }
0xd8: {  	v4 =	vperm.xlane v3, v0;
	_ =	sdelay $0x1  }
0xd9: {  	v4 =	vadd.s32 v1, v4;
	_ =	sdelay $0x4  }
0xda: {  	[tilespmem:s17], [sflag:$0x2] =	stream.indirect_vreg.gather [hbm4b:s3+s2], $0x80, v4, vm0, $0xb8;
	[tilespmem:$0x10400] =	vst v63  }
0xdb: {  	v3 =	vperm.xlane v3, v2  }
0xdc: {  	[tilespmem:s18], [sflag:$0x2] =	stream.indirect_vreg.gather [hbm4b:s5+s2], $0x80, v4, vm0, $0xb8;
	[tilespmem:$0x10400] =	vst v63  }
0xdd: {  	v3 =	vadd.s32 v1, v3  }
0xde: {  	[tilespmem:s19], [sflag:$0x2] =	stream.indirect_vreg.gather [hbm4b:s6+s2], $0x80, v4, vm0, $0xb8;
	[tilespmem:$0x10400] =	vst v63  }
0xdf: {  	_ = 	snop  }
0xe0: {  	[tilespmem:s20], [sflag:$0x2] =	stream.indirect_vreg.gather [hbm4b:s7+s2], $0x80, v4, vm0, $0xb8;
	[tilespmem:$0x10400] =	vst v63  }
0xe1: {  	_ = 	snop  }
0xe2: {  	[tilespmem:s23], [sflag:$0x2] =	stream.indirect_vreg.gather [hbm4b:s3+s2], $0x80, v3, vm0, $0xb8;
	[tilespmem:$0x10400] =	vst v63  }
0xe3: {  	_ = 	snop  }
0xe4: {  	[tilespmem:s24], [sflag:$0x2] =	stream.indirect_vreg.gather [hbm4b:s5+s2], $0x80, v3, vm0, $0xb8;
	[tilespmem:$0x10400] =	vst v63  }
0xe5: {  	_ = 	snop  }
0xe6: {  	[tilespmem:s25], [sflag:$0x2] =	stream.indirect_vreg.gather [hbm4b:s6+s2], $0x80, v3, vm0, $0xb8;
	[tilespmem:$0x10400] =	vst v63  }
0xe7: {  	_ = 	snop  }
0xe8: {  	[tilespmem:s26], [sflag:$0x2] =	stream.indirect_vreg.gather [hbm4b:s7+s2], $0x80, v3, vm0, $0xb8;
	[tilespmem:$0x10400] =	vst v63  }
0xe9: {  	s26 =	simm.s32 $0x3  }
0xea: {  	_ =	swait.ge [sflag:s26], $0x4000  }
0xeb: {  	[sflag:s26] =	ssyncset.done $0x0  }
0xec: {  	s28 =	simm.s32 $0x8400;
	s8 =	sadd.s32 $0x1000, s1;
	[sflag:s26] =	ssyncadd.s32 $0xFFFFC000  }
0xed: {  	[hbm4b:s8+s21] =	stream.strided.scatter [tilespmem:s28], [sflag:$0x7], $0x400, s22, s21, $0x38;
	[tilespmem:$0x10400] =	vst v63  }
0xee: {  	s9 =	sadd.s32 $0x1040, s1;
	s10 =	simm.s32 $0x8800  }
0xef: {  	[hbm4b:s9+s21] =	stream.strided.scatter [tilespmem:s10], [sflag:$0x7], $0x400, s22, s21, $0x38;
	[tilespmem:$0x10400] =	vst v63  }
0xf0: {  	s29 =	simm.s32 $0x8C00;
	s11 =	sadd.s32 $0x1080, s1  }
0xf1: {  	[hbm4b:s11+s21] =	stream.strided.scatter [tilespmem:s29], [sflag:$0x7], $0x400, s22, s21, $0x38;
	[tilespmem:$0x10400] =	vst v63  }
0xf2: {  	s12 =	sadd.s32 $0x10C0, s1;
	s13 =	simm.s32 $0x9000  }
0xf3: {  	[hbm4b:s12+s21] =	stream.strided.scatter [tilespmem:s13], [sflag:$0x7], $0x400, s22, s21, $0x38;
	[tilespmem:$0x10400] =	vst v63  }
0xf4: {  	s30 =	simm.s32 $0x9400;
	s14 =	sadd.s32 $0x1100, s1  }
0xf5: {  	[hbm4b:s14+s21] =	stream.strided.scatter [tilespmem:s30], [sflag:$0x7], $0x400, s22, s21, $0x38;
	[tilespmem:$0x10400] =	vst v63  }
0xf6: {  	s15 =	sadd.s32 $0x1140, s1;
	s16 =	simm.s32 $0x9800  }
0xf7: {  	[hbm4b:s15+s21] =	stream.strided.scatter [tilespmem:s16], [sflag:$0x7], $0x400, s22, s21, $0x38;
	[tilespmem:$0x10400] =	vst v63  }
0xf8: {  	s17 =	sadd.s32 $0x1180, s1;
	s13 =	simm.s32 $0x9C00  }
0xf9: {  	[hbm4b:s17+s21] =	stream.strided.scatter [tilespmem:s13], [sflag:$0x7], $0x400, s22, s21, $0x38;
	[tilespmem:$0x10400] =	vst v63  }
0xfa: {  	s18 =	sadd.s32 $0x11C0, s1;
	s19 =	simm.s32 $0xA000  }
0xfb: {  	[hbm4b:s18+s21] =	stream.strided.scatter [tilespmem:s19], [sflag:$0x7], $0x400, s22, s21, $0x38;
	[tilespmem:$0x10400] =	vst v63  }
0xfc: {  	s20 =	sadd.s32 $0x1400, s1;
	s9 =	simm.s32 $0xA400  }
0xfd: {  	[hbm4b:s20+s21] =	stream.strided.scatter [tilespmem:s9], [sflag:$0x7], $0x400, s22, s21, $0x38;
	[tilespmem:$0x10400] =	vst v63  }
0xfe: {  	s23 =	sadd.s32 $0x1440, s1;
	s26 =	simm.s32 $0xA800  }
0xff: {  	[hbm4b:s23+s21] =	stream.strided.scatter [tilespmem:s26], [sflag:$0x7], $0x400, s22, s21, $0x38;
	[tilespmem:$0x10400] =	vst v63  }
0x100: {  	s8 =	sadd.s32 $0x1480, s1;
	s12 =	simm.s32 $0xAC00  }
0x101: {  	[hbm4b:s8+s21] =	stream.strided.scatter [tilespmem:s12], [sflag:$0x7], $0x400, s22, s21, $0x38;
	[tilespmem:$0x10400] =	vst v63  }
0x102: {  	s10 =	sadd.s32 $0x14C0, s1;
	s11 =	simm.s32 $0xB000  }
0x103: {  	[hbm4b:s10+s21] =	stream.strided.scatter [tilespmem:s11], [sflag:$0x7], $0x400, s22, s21, $0x38;
	[tilespmem:$0x10400] =	vst v63  }
0x104: {  	s14 =	sadd.s32 $0x1500, s1;
	s15 =	simm.s32 $0xB400  }
0x105: {  	[hbm4b:s14+s21] =	stream.strided.scatter [tilespmem:s15], [sflag:$0x7], $0x400, s22, s21, $0x38;
	[tilespmem:$0x10400] =	vst v63  }
0x106: {  	s16 =	sadd.s32 $0x1540, s1;
	s10 =	simm.s32 $0xB800  }
0x107: {  	[hbm4b:s16+s21] =	stream.strided.scatter [tilespmem:s10], [sflag:$0x7], $0x400, s22, s21, $0x38;
	[tilespmem:$0x10400] =	vst v63  }
0x108: {  	s17 =	sadd.s32 $0x1580, s1;
	s18 =	simm.s32 $0xBC00  }
0x109: {  	[hbm4b:s17+s21] =	stream.strided.scatter [tilespmem:s18], [sflag:$0x7], $0x400, s22, s21, $0x38;
	[tilespmem:$0x10400] =	vst v63  }
0x10a: {  	s19 =	sadd.s32 $0x15C0, s1;
	s20 =	simm.s32 $0x7;
	s11 =	simm.s32 $0xC000  }
0x10b: {  	[hbm4b:s19+s21] =	stream.strided.scatter [tilespmem:s11], [sflag:$0x7], $0x400, s22, s21, $0x38;
	[tilespmem:$0x10400] =	vst v63  }
0x10c: {  	_ =	swait.ge [sflag:s20], $0x4000  }
0x10d: {  	[sflag:s20] =	ssyncset.done $0x0  }
0x10e: {  	[sflag:s20] =	ssyncadd.s32 $0xFFFFC000  }
0x10f: {  	v3 =	vld [tilespmem:s31+$0xFFFFFFF0];
	_ =	sdelay $0x4  }
0x110: {  	v62 =	vshll.u32 v3, $0x3  }
0x111: {  	v3 =	vand.u32 $0x7, v3;
	v4 =	vand.u32 $0xFFFFFFC0, v62  }
0x112: {  	v3 =	vor.u32 v3, v4  }
0x113: {  	v4 =	vperm.xlane v3, v0;
	_ =	sdelay $0x1  }
0x114: {  	v4 =	vadd.s32 v1, v4;
	_ =	sdelay $0x4  }
0x115: {  	[tilespmem:s28], [sflag:$0x3] =	stream.indirect_vreg.gather [hbm4b:s3+s2], $0x80, v4, vm0, $0xb8;
	[tilespmem:$0x10400] =	vst v63  }
0x116: {  	v3 =	vperm.xlane v3, v2  }
0x117: {  	[tilespmem:s29], [sflag:$0x3] =	stream.indirect_vreg.gather [hbm4b:s5+s2], $0x80, v4, vm0, $0xb8;
	[tilespmem:$0x10400] =	vst v63  }
0x118: {  	v3 =	vadd.s32 v1, v3  }
0x119: {  	[tilespmem:s30], [sflag:$0x3] =	stream.indirect_vreg.gather [hbm4b:s6+s2], $0x80, v4, vm0, $0xb8;
	[tilespmem:$0x10400] =	vst v63  }
0x11a: {  	_ = 	snop  }
0x11b: {  	[tilespmem:s13], [sflag:$0x3] =	stream.indirect_vreg.gather [hbm4b:s7+s2], $0x80, v4, vm0, $0xb8;
	[tilespmem:$0x10400] =	vst v63  }
0x11c: {  	_ = 	snop  }
0x11d: {  	[tilespmem:s9], [sflag:$0x3] =	stream.indirect_vreg.gather [hbm4b:s3+s2], $0x80, v3, vm0, $0xb8;
	[tilespmem:$0x10400] =	vst v63  }
0x11e: {  	_ = 	snop  }
0x11f: {  	[tilespmem:s12], [sflag:$0x3] =	stream.indirect_vreg.gather [hbm4b:s5+s2], $0x80, v3, vm0, $0xb8;
	[tilespmem:$0x10400] =	vst v63  }
0x120: {  	_ = 	snop  }
0x121: {  	[tilespmem:s15], [sflag:$0x3] =	stream.indirect_vreg.gather [hbm4b:s6+s2], $0x80, v3, vm0, $0xb8;
	[tilespmem:$0x10400] =	vst v63  }
0x122: {  	s23 =	simm.s32 $0x4  }
0x123: {  	[tilespmem:s18], [sflag:$0x3] =	stream.indirect_vreg.gather [hbm4b:s7+s2], $0x80, v3, vm0, $0xb8;
	[tilespmem:$0x10400] =	vst v63  }
0x124: {  	_ =	swait.ge [sflag:s23], $0x4000  }
0x125: {  	[sflag:s23] =	ssyncset.done $0x0  }
0x126: {  	s10 =	sadd.s32 $0x1800, s1;
	s11 =	simm.s32 $0xC400;
	[sflag:s23] =	ssyncadd.s32 $0xFFFFC000  }
0x127: {  	[hbm4b:s10+s21] =	stream.strided.scatter [tilespmem:s11], [sflag:$0x8], $0x400, s22, s21, $0x38;
	[tilespmem:$0x10400] =	vst v63  }
0x128: {  	s14 =	sadd.s32 $0x1840, s1;
	s15 =	simm.s32 $0xC800  }
0x129: {  	[hbm4b:s14+s21] =	stream.strided.scatter [tilespmem:s15], [sflag:$0x8], $0x400, s22, s21, $0x38;
	[tilespmem:$0x10400] =	vst v63  }
0x12a: {  	s16 =	sadd.s32 $0x1880, s1;
	s15 =	simm.s32 $0xCC00  }
0x12b: {  	[hbm4b:s16+s21] =	stream.strided.scatter [tilespmem:s15], [sflag:$0x8], $0x400, s22, s21, $0x38;
	[tilespmem:$0x10400] =	vst v63  }
0x12c: {  	s17 =	sadd.s32 $0x18C0, s1;
	s18 =	simm.s32 $0xD000  }
0x12d: {  	[hbm4b:s17+s21] =	stream.strided.scatter [tilespmem:s18], [sflag:$0x8], $0x400, s22, s21, $0x38;
	[tilespmem:$0x10400] =	vst v63  }
0x12e: {  	s19 =	sadd.s32 $0x1900, s1;
	s14 =	simm.s32 $0xD400  }
0x12f: {  	[hbm4b:s19+s21] =	stream.strided.scatter [tilespmem:s14], [sflag:$0x8], $0x400, s22, s21, $0x38;
	[tilespmem:$0x10400] =	vst v63  }
0x130: {  	s20 =	sadd.s32 $0x1940, s1;
	s23 =	simm.s32 $0xD800  }
0x131: {  	[hbm4b:s20+s21] =	stream.strided.scatter [tilespmem:s23], [sflag:$0x8], $0x400, s22, s21, $0x38;
	[tilespmem:$0x10400] =	vst v63  }
0x132: {  	s10 =	sadd.s32 $0x1980, s1;
	s16 =	simm.s32 $0xDC00  }
0x133: {  	[hbm4b:s10+s21] =	stream.strided.scatter [tilespmem:s16], [sflag:$0x8], $0x400, s22, s21, $0x38;
	[tilespmem:$0x10400] =	vst v63  }
0x134: {  	s17 =	sadd.s32 $0x19C0, s1;
	s18 =	simm.s32 $0xE000  }
0x135: {  	[hbm4b:s17+s21] =	stream.strided.scatter [tilespmem:s18], [sflag:$0x8], $0x400, s22, s21, $0x38;
	[tilespmem:$0x10400] =	vst v63  }
0x136: {  	s19 =	sadd.s32 $0x1C00, s1;
	s17 =	simm.s32 $0xE400  }
0x137: {  	[hbm4b:s19+s21] =	stream.strided.scatter [tilespmem:s17], [sflag:$0x8], $0x400, s22, s21, $0x38;
	[tilespmem:$0x10400] =	vst v63  }
0x138: {  	s20 =	sadd.s32 $0x1C40, s1;
	s23 =	simm.s32 $0xE800  }
0x139: {  	[hbm4b:s20+s21] =	stream.strided.scatter [tilespmem:s23], [sflag:$0x8], $0x400, s22, s21, $0x38;
	[tilespmem:$0x10400] =	vst v63  }
0x13a: {  	s10 =	sadd.s32 $0x1C80, s1;
	s18 =	simm.s32 $0xEC00  }
0x13b: {  	[hbm4b:s10+s21] =	stream.strided.scatter [tilespmem:s18], [sflag:$0x8], $0x400, s22, s21, $0x38;
	[tilespmem:$0x10400] =	vst v63  }
0x13c: {  	s19 =	sadd.s32 $0x1CC0, s1;
	s20 =	simm.s32 $0xF000  }
0x13d: {  	[hbm4b:s19+s21] =	stream.strided.scatter [tilespmem:s20], [sflag:$0x8], $0x400, s22, s21, $0x38;
	[tilespmem:$0x10400] =	vst v63  }
0x13e: {  	s23 =	sadd.s32 $0x1D00, s1;
	s19 =	simm.s32 $0xF400  }
0x13f: {  	[hbm4b:s23+s21] =	stream.strided.scatter [tilespmem:s19], [sflag:$0x8], $0x400, s22, s21, $0x38;
	[tilespmem:$0x10400] =	vst v63  }
0x140: {  	s10 =	sadd.s32 $0x1D40, s1;
	s20 =	simm.s32 $0xF800  }
0x141: {  	[hbm4b:s10+s21] =	stream.strided.scatter [tilespmem:s20], [sflag:$0x8], $0x400, s22, s21, $0x38;
	[tilespmem:$0x10400] =	vst v63  }
0x142: {  	s23 =	sadd.s32 $0x1D80, s1;
	s20 =	simm.s32 $0xFC00  }
0x143: {  	[hbm4b:s23+s21] =	stream.strided.scatter [tilespmem:s20], [sflag:$0x8], $0x400, s22, s21, $0x38;
	[tilespmem:$0x10400] =	vst v63  }
0x144: {  	s10 =	sadd.s32 $0x1DC0, s1;
	s23 =	simm.s32 $0x10000  }
0x145: {  	[hbm4b:s10+s21] =	stream.strided.scatter [tilespmem:s23], [sflag:$0x8], $0x400, s22, s21, $0x38;
	[tilespmem:$0x10400] =	vst v63  }
0x146: {  	s10 =	simm.s32 $0x8  }
0x147: {  	_ =	swait.ge [sflag:s10], $0x4000  }
0x148: {  	[sflag:s10] =	ssyncset.done $0x0  }
0x149: {  	[sflag:s10] =	ssyncadd.s32 $0xFFFFC000  }
0x14a: {  	v3 =	vld [tilespmem:s31+$0x0];
	_ =	sdelay $0x4  }
0x14b: {  	v63 =	vshll.u32 v3, $0x3  }
0x14c: {  	v3 =	vand.u32 $0x7, v3;
	v4 =	vand.u32 $0xFFFFFFC0, v63  }
0x14d: {  	v3 =	vor.u32 v3, v4  }
0x14e: {  	v4 =	vperm.xlane v3, v0;
	_ =	sdelay $0x1  }
0x14f: {  	v4 =	vadd.s32 v1, v4;
	_ =	sdelay $0x4  }
0x150: {  	[tilespmem:s11], [sflag:$0x4] =	stream.indirect_vreg.gather [hbm4b:s3+s2], $0x80, v4, vm0, $0xb8;
	[tilespmem:$0x10400] =	vst v63  }
0x151: {  	v3 =	vperm.xlane v3, v2  }
0x152: {  	[tilespmem:s15], [sflag:$0x4] =	stream.indirect_vreg.gather [hbm4b:s5+s2], $0x80, v4, vm0, $0xb8;
	[tilespmem:$0x10400] =	vst v63  }
0x153: {  	v3 =	vadd.s32 v1, v3  }
0x154: {  	[tilespmem:s14], [sflag:$0x4] =	stream.indirect_vreg.gather [hbm4b:s6+s2], $0x80, v4, vm0, $0xb8;
	[tilespmem:$0x10400] =	vst v63  }
0x155: {  	_ = 	snop  }
0x156: {  	[tilespmem:s16], [sflag:$0x4] =	stream.indirect_vreg.gather [hbm4b:s7+s2], $0x80, v4, vm0, $0xb8;
	[tilespmem:$0x10400] =	vst v63  }
0x157: {  	_ = 	snop  }
0x158: {  	[tilespmem:s17], [sflag:$0x4] =	stream.indirect_vreg.gather [hbm4b:s3+s2], $0x80, v3, vm0, $0xb8;
	[tilespmem:$0x10400] =	vst v63  }
0x159: {  	_ = 	snop  }
0x15a: {  	[tilespmem:s18], [sflag:$0x4] =	stream.indirect_vreg.gather [hbm4b:s5+s2], $0x80, v3, vm0, $0xb8;
	[tilespmem:$0x10400] =	vst v63  }
0x15b: {  	_ = 	snop  }
0x15c: {  	[tilespmem:s19], [sflag:$0x4] =	stream.indirect_vreg.gather [hbm4b:s6+s2], $0x80, v3, vm0, $0xb8;
	[tilespmem:$0x10400] =	vst v63  }
0x15d: {  	_ = 	snop  }
0x15e: {  	[tilespmem:s20], [sflag:$0x4] =	stream.indirect_vreg.gather [hbm4b:s7+s2], $0x80, v3, vm0, $0xb8;
	[tilespmem:$0x10400] =	vst v63  }
0x15f: {  	s20 =	simm.s32 $0x1  }
0x160: {  	p0 =	sne.s32 s0, $0x1C000;
	_ =	swait.ge [sflag:s20], $0x4000  }
0x161: {  	s0 =	sadd.s32 $0x2000, s0;
	s4 =	sadd.s32 $0x2000, s1;
	[sflag:s20] =	ssyncset.done $0x0  }
0x162: {  	s24 =	simm.s32 $0x7400;
	s23 =	simm.s32 $0x400;
	[sflag:s20] =	ssyncadd.s32 $0xFFFFC000  }
0x163: {  	[hbm4b:s4+s21] =	stream.strided.scatter [tilespmem:s23], [sflag:$0x5], $0x400, s22, s21, $0x38;
	[tilespmem:$0x10400] =	vst v63  }
0x164: {  	s25 =	simm.s32 $0x7C00;
	s4 =	sadd.s32 $0x2040, s1;
	s23 =	simm.s32 $0x800  }
0x165: {  	[hbm4b:s4+s21] =	stream.strided.scatter [tilespmem:s23], [sflag:$0x5], $0x400, s22, s21, $0x38;
	[tilespmem:$0x10400] =	vst v63  }
0x166: {  	s26 =	simm.s32 $0x8400;
	s4 =	sadd.s32 $0x2080, s1;
	s23 =	simm.s32 $0xC00  }
0x167: {  	[hbm4b:s4+s21] =	stream.strided.scatter [tilespmem:s23], [sflag:$0x5], $0x400, s22, s21, $0x38;
	[tilespmem:$0x10400] =	vst v63  }
0x168: {  	s8 =	simm.s32 $0xBC00;
	s28 =	simm.s32 $0x8C00;
	s23 =	sadd.s32 $0x20C0, s1  }
0x169: {  	[hbm4b:s23+s21] =	stream.strided.scatter [tilespmem:s22], [sflag:$0x5], $0x400, s22, s21, $0x38;
	[tilespmem:$0x10400] =	vst v63  }
0x16a: {  	s29 =	simm.s32 $0x9400;
	s4 =	sadd.s32 $0x2100, s1;
	s23 =	simm.s32 $0x1400  }
0x16b: {  	[hbm4b:s4+s21] =	stream.strided.scatter [tilespmem:s23], [sflag:$0x5], $0x400, s22, s21, $0x38;
	[tilespmem:$0x10400] =	vst v63  }
0x16c: {  	s30 =	simm.s32 $0x9C00;
	s4 =	sadd.s32 $0x2140, s1;
	s23 =	simm.s32 $0x1800  }
0x16d: {  	[hbm4b:s4+s21] =	stream.strided.scatter [tilespmem:s23], [sflag:$0x5], $0x400, s22, s21, $0x38;
	[tilespmem:$0x10400] =	vst v63  }
0x16e: {  	s13 =	simm.s32 $0xA400;
	s4 =	sadd.s32 $0x2180, s1;
	s23 =	simm.s32 $0x1C00  }
0x16f: {  	[hbm4b:s4+s21] =	stream.strided.scatter [tilespmem:s23], [sflag:$0x5], $0x400, s22, s21, $0x38;
	[tilespmem:$0x10400] =	vst v63  }
0x170: {  	s9 =	simm.s32 $0xAC00;
	s4 =	sadd.s32 $0x21C0, s1;
	s23 =	simm.s32 $0x2000  }
0x171: {  	[hbm4b:s4+s21] =	stream.strided.scatter [tilespmem:s23], [sflag:$0x5], $0x400, s22, s21, $0x38;
	[tilespmem:$0x10400] =	vst v63  }
0x172: {  	s12 =	simm.s32 $0xB400;
	s4 =	sadd.s32 $0x2400, s1;
	s23 =	simm.s32 $0x2400  }
0x173: {  	[hbm4b:s4+s21] =	stream.strided.scatter [tilespmem:s23], [sflag:$0x5], $0x400, s22, s21, $0x38;
	[tilespmem:$0x10400] =	vst v63  }
0x174: {  	s10 =	simm.s32 $0xC400;
	s4 =	sadd.s32 $0x2440, s1;
	s23 =	simm.s32 $0x2800  }
0x175: {  	[hbm4b:s4+s21] =	stream.strided.scatter [tilespmem:s23], [sflag:$0x5], $0x400, s22, s21, $0x38;
	[tilespmem:$0x10400] =	vst v63  }
0x176: {  	s31 =	sadd.s32 $0x40, s31;
	s4 =	sadd.s32 $0x2480, s1;
	s23 =	simm.s32 $0x2C00  }
0x177: {  	[hbm4b:s4+s21] =	stream.strided.scatter [tilespmem:s23], [sflag:$0x5], $0x400, s22, s21, $0x38;
	[tilespmem:$0x10400] =	vst v63  }
0x178: {  	s11 =	simm.s32 $0xCC00;
	s4 =	sadd.s32 $0x24C0, s1;
	s23 =	simm.s32 $0x3000  }
0x179: {  	[hbm4b:s4+s21] =	stream.strided.scatter [tilespmem:s23], [sflag:$0x5], $0x400, s22, s21, $0x38;
	[tilespmem:$0x10400] =	vst v63  }
0x17a: {  	s15 =	simm.s32 $0xD400;
	s4 =	sadd.s32 $0x2500, s1;
	s23 =	simm.s32 $0x3400  }
0x17b: {  	[hbm4b:s4+s21] =	stream.strided.scatter [tilespmem:s23], [sflag:$0x5], $0x400, s22, s21, $0x38;
	[tilespmem:$0x10400] =	vst v63  }
0x17c: {  	s14 =	simm.s32 $0xDC00;
	s4 =	sadd.s32 $0x2540, s1;
	s23 =	simm.s32 $0x3800  }
0x17d: {  	[hbm4b:s4+s21] =	stream.strided.scatter [tilespmem:s23], [sflag:$0x5], $0x400, s22, s21, $0x38;
	[tilespmem:$0x10400] =	vst v63  }
.Ltmp0:
0x17e: {  	s16 =	simm.s32 $0xE400;
	s17 =	simm.s32 $0xEC00;
	(pc) =	sbr.rel @p0 .LBB2_2-.Ltmp0, $4  }
0x17f: {  	s18 =	simm.s32 $0xF400;
	s4 =	sadd.s32 $0x2580, s1;
	s23 =	simm.s32 $0x3C00  }
0x180: {  	[hbm4b:s4+s21] =	stream.strided.scatter [tilespmem:s23], [sflag:$0x5], $0x400, s22, s21, $0x38;
	[tilespmem:$0x10400] =	vst v63  }
0x181: {  	s19 =	simm.s32 $0xFC00;
	s1 =	sadd.s32 $0x25C0, s1;
	s23 =	simm.s32 $0x4000  }
0x182: {  	[hbm4b:s1+s21] =	stream.strided.scatter [tilespmem:s23], [sflag:$0x5], $0x400, s22, s21, $0x38;
	[tilespmem:$0x10400] =	vst v63  }
0x183: {  	s0 =	simm.s32 $0x2  }
0x184: {  	_ =	swait.ge [sflag:s0], $0x4000  }
0x185: {  	[sflag:s0] =	ssyncset.done $0x0  }
0x186: {  	s4 =	simm.s32 $0x4400;
	s1 =	rddreg [dreg:$0x6];
	[sflag:s0] =	ssyncadd.s32 $0xFFFFC000  }
0x187: {  	[hbm4b:s1+s21] =	stream.strided.scatter [tilespmem:s4], [sflag:$0x6], $0x400, s22, s21, $0x38;
	[tilespmem:$0x10400] =	vst v63  }
0x188: {  	s23 =	sadd.s32 $0x40, s1;
	s4 =	simm.s32 $0x4800  }
0x189: {  	[hbm4b:s23+s21] =	stream.strided.scatter [tilespmem:s4], [sflag:$0x6], $0x400, s22, s21, $0x38;
	[tilespmem:$0x10400] =	vst v63  }
0x18a: {  	s4 =	sadd.s32 $0x80, s1;
	s23 =	simm.s32 $0x4C00  }
0x18b: {  	[hbm4b:s4+s21] =	stream.strided.scatter [tilespmem:s23], [sflag:$0x6], $0x400, s22, s21, $0x38;
	[tilespmem:$0x10400] =	vst v63  }
0x18c: {  	s4 =	sadd.s32 $0xC0, s1;
	s23 =	simm.s32 $0x5000  }
0x18d: {  	[hbm4b:s4+s21] =	stream.strided.scatter [tilespmem:s23], [sflag:$0x6], $0x400, s22, s21, $0x38;
	[tilespmem:$0x10400] =	vst v63  }
0x18e: {  	s4 =	sadd.s32 $0x100, s1;
	s23 =	simm.s32 $0x5400  }
0x18f: {  	[hbm4b:s4+s21] =	stream.strided.scatter [tilespmem:s23], [sflag:$0x6], $0x400, s22, s21, $0x38;
	[tilespmem:$0x10400] =	vst v63  }
0x190: {  	s4 =	sadd.s32 $0x140, s1;
	s23 =	simm.s32 $0x5800  }
0x191: {  	[hbm4b:s4+s21] =	stream.strided.scatter [tilespmem:s23], [sflag:$0x6], $0x400, s22, s21, $0x38;
	[tilespmem:$0x10400] =	vst v63  }
0x192: {  	s4 =	sadd.s32 $0x180, s1;
	s23 =	simm.s32 $0x5C00  }
0x193: {  	[hbm4b:s4+s21] =	stream.strided.scatter [tilespmem:s23], [sflag:$0x6], $0x400, s22, s21, $0x38;
	[tilespmem:$0x10400] =	vst v63  }
0x194: {  	s4 =	sadd.s32 $0x1C0, s1;
	s23 =	simm.s32 $0x6000  }
0x195: {  	[hbm4b:s4+s21] =	stream.strided.scatter [tilespmem:s23], [sflag:$0x6], $0x400, s22, s21, $0x38;
	[tilespmem:$0x10400] =	vst v63  }
0x196: {  	s4 =	sadd.s32 $0x400, s1;
	s23 =	simm.s32 $0x6400  }
0x197: {  	[hbm4b:s4+s21] =	stream.strided.scatter [tilespmem:s23], [sflag:$0x6], $0x400, s22, s21, $0x38;
	[tilespmem:$0x10400] =	vst v63  }
0x198: {  	s4 =	sadd.s32 $0x440, s1;
	s23 =	simm.s32 $0x6800  }
0x199: {  	[hbm4b:s4+s21] =	stream.strided.scatter [tilespmem:s23], [sflag:$0x6], $0x400, s22, s21, $0x38;
	[tilespmem:$0x10400] =	vst v63  }
0x19a: {  	s4 =	sadd.s32 $0x480, s1;
	s23 =	simm.s32 $0x6C00  }
0x19b: {  	[hbm4b:s4+s21] =	stream.strided.scatter [tilespmem:s23], [sflag:$0x6], $0x400, s22, s21, $0x38;
	[tilespmem:$0x10400] =	vst v63  }
0x19c: {  	s4 =	sadd.s32 $0x4C0, s1;
	s23 =	simm.s32 $0x7000  }
0x19d: {  	[hbm4b:s4+s21] =	stream.strided.scatter [tilespmem:s23], [sflag:$0x6], $0x400, s22, s21, $0x38;
	[tilespmem:$0x10400] =	vst v63  }
0x19e: {  	s23 =	sadd.s32 $0x500, s1  }
0x19f: {  	[hbm4b:s23+s21] =	stream.strided.scatter [tilespmem:s24], [sflag:$0x6], $0x400, s22, s21, $0x38;
	[tilespmem:$0x10400] =	vst v63  }
0x1a0: {  	s4 =	sadd.s32 $0x540, s1;
	s23 =	simm.s32 $0x7800  }
0x1a1: {  	[hbm4b:s4+s21] =	stream.strided.scatter [tilespmem:s23], [sflag:$0x6], $0x400, s22, s21, $0x38;
	[tilespmem:$0x10400] =	vst v63  }
0x1a2: {  	s23 =	sadd.s32 $0x580, s1  }
0x1a3: {  	[hbm4b:s23+s21] =	stream.strided.scatter [tilespmem:s25], [sflag:$0x6], $0x400, s22, s21, $0x38;
	[tilespmem:$0x10400] =	vst v63  }
0x1a4: {  	s4 =	sadd.s32 $0x5C0, s1;
	s1 =	simm.s32 $0x3;
	s23 =	simm.s32 $0x8000  }
0x1a5: {  	[hbm4b:s4+s21] =	stream.strided.scatter [tilespmem:s23], [sflag:$0x6], $0x400, s22, s21, $0x38;
	[tilespmem:$0x10400] =	vst v63  }
0x1a6: {  	_ =	swait.ge [sflag:s1], $0x4000  }
0x1a7: {  	[sflag:s1] =	ssyncset.done $0x0  }
0x1a8: {  	[sflag:s1] =	ssyncadd.s32 $0xFFFFC000;
	s1 =	rddreg [dreg:$0x7]  }
0x1a9: {  	[hbm4b:s1+s21] =	stream.strided.scatter [tilespmem:s26], [sflag:$0x7], $0x400, s22, s21, $0x38;
	[tilespmem:$0x10400] =	vst v63  }
0x1aa: {  	s23 =	simm.s32 $0x8800;
	s4 =	sadd.s32 $0x40, s1  }
0x1ab: {  	[hbm4b:s4+s21] =	stream.strided.scatter [tilespmem:s23], [sflag:$0x7], $0x400, s22, s21, $0x38;
	[tilespmem:$0x10400] =	vst v63  }
0x1ac: {  	s23 =	sadd.s32 $0x80, s1  }
0x1ad: {  	[hbm4b:s23+s21] =	stream.strided.scatter [tilespmem:s28], [sflag:$0x7], $0x400, s22, s21, $0x38;
	[tilespmem:$0x10400] =	vst v63  }
0x1ae: {  	s4 =	sadd.s32 $0xC0, s1;
	s23 =	simm.s32 $0x9000  }
0x1af: {  	[hbm4b:s4+s21] =	stream.strided.scatter [tilespmem:s23], [sflag:$0x7], $0x400, s22, s21, $0x38;
	[tilespmem:$0x10400] =	vst v63  }
0x1b0: {  	s23 =	sadd.s32 $0x100, s1  }
0x1b1: {  	[hbm4b:s23+s21] =	stream.strided.scatter [tilespmem:s29], [sflag:$0x7], $0x400, s22, s21, $0x38;
	[tilespmem:$0x10400] =	vst v63  }
0x1b2: {  	s4 =	sadd.s32 $0x140, s1;
	s23 =	simm.s32 $0x9800  }
0x1b3: {  	[hbm4b:s4+s21] =	stream.strided.scatter [tilespmem:s23], [sflag:$0x7], $0x400, s22, s21, $0x38;
	[tilespmem:$0x10400] =	vst v63  }
0x1b4: {  	s23 =	sadd.s32 $0x180, s1  }
0x1b5: {  	[hbm4b:s23+s21] =	stream.strided.scatter [tilespmem:s30], [sflag:$0x7], $0x400, s22, s21, $0x38;
	[tilespmem:$0x10400] =	vst v63  }
0x1b6: {  	s4 =	sadd.s32 $0x1C0, s1;
	s23 =	simm.s32 $0xA000  }
0x1b7: {  	[hbm4b:s4+s21] =	stream.strided.scatter [tilespmem:s23], [sflag:$0x7], $0x400, s22, s21, $0x38;
	[tilespmem:$0x10400] =	vst v63  }
0x1b8: {  	s23 =	sadd.s32 $0x400, s1  }
0x1b9: {  	[hbm4b:s23+s21] =	stream.strided.scatter [tilespmem:s13], [sflag:$0x7], $0x400, s22, s21, $0x38;
	[tilespmem:$0x10400] =	vst v63  }
0x1ba: {  	s4 =	sadd.s32 $0x440, s1;
	s23 =	simm.s32 $0xA800  }
0x1bb: {  	[hbm4b:s4+s21] =	stream.strided.scatter [tilespmem:s23], [sflag:$0x7], $0x400, s22, s21, $0x38;
	[tilespmem:$0x10400] =	vst v63  }
0x1bc: {  	s23 =	sadd.s32 $0x480, s1  }
0x1bd: {  	[hbm4b:s23+s21] =	stream.strided.scatter [tilespmem:s9], [sflag:$0x7], $0x400, s22, s21, $0x38;
	[tilespmem:$0x10400] =	vst v63  }
0x1be: {  	s4 =	sadd.s32 $0x4C0, s1;
	s23 =	simm.s32 $0xB000  }
0x1bf: {  	[hbm4b:s4+s21] =	stream.strided.scatter [tilespmem:s23], [sflag:$0x7], $0x400, s22, s21, $0x38;
	[tilespmem:$0x10400] =	vst v63  }
0x1c0: {  	s23 =	sadd.s32 $0x500, s1  }
0x1c1: {  	[hbm4b:s23+s21] =	stream.strided.scatter [tilespmem:s12], [sflag:$0x7], $0x400, s22, s21, $0x38;
	[tilespmem:$0x10400] =	vst v63  }
0x1c2: {  	s4 =	sadd.s32 $0x540, s1;
	s23 =	simm.s32 $0xB800  }
0x1c3: {  	[hbm4b:s4+s21] =	stream.strided.scatter [tilespmem:s23], [sflag:$0x7], $0x400, s22, s21, $0x38;
	[tilespmem:$0x10400] =	vst v63  }
0x1c4: {  	s23 =	sadd.s32 $0x580, s1  }
0x1c5: {  	[hbm4b:s23+s21] =	stream.strided.scatter [tilespmem:s8], [sflag:$0x7], $0x400, s22, s21, $0x38;
	[tilespmem:$0x10400] =	vst v63  }
0x1c6: {  	s4 =	sadd.s32 $0x5C0, s1;
	s1 =	simm.s32 $0x4;
	s23 =	simm.s32 $0xC000  }
0x1c7: {  	[hbm4b:s4+s21] =	stream.strided.scatter [tilespmem:s23], [sflag:$0x7], $0x400, s22, s21, $0x38;
	[tilespmem:$0x10400] =	vst v63  }
0x1c8: {  	_ =	swait.ge [sflag:s1], $0x4000  }
0x1c9: {  	[sflag:s1] =	ssyncset.done $0x0  }
0x1ca: {  	[sflag:s1] =	ssyncadd.s32 $0xFFFFC000;
	s1 =	rddreg [dreg:$0x8]  }
0x1cb: {  	[hbm4b:s1+s21] =	stream.strided.scatter [tilespmem:s10], [sflag:$0x8], $0x400, s22, s21, $0x38;
	[tilespmem:$0x10400] =	vst v63  }
0x1cc: {  	s23 =	simm.s32 $0xC800;
	s4 =	sadd.s32 $0x40, s1  }
0x1cd: {  	[hbm4b:s4+s21] =	stream.strided.scatter [tilespmem:s23], [sflag:$0x8], $0x400, s22, s21, $0x38;
	[tilespmem:$0x10400] =	vst v63  }
0x1ce: {  	s23 =	sadd.s32 $0x80, s1  }
0x1cf: {  	[hbm4b:s23+s21] =	stream.strided.scatter [tilespmem:s11], [sflag:$0x8], $0x400, s22, s21, $0x38;
	[tilespmem:$0x10400] =	vst v63  }
0x1d0: {  	s4 =	sadd.s32 $0xC0, s1;
	s23 =	simm.s32 $0xD000  }
0x1d1: {  	[hbm4b:s4+s21] =	stream.strided.scatter [tilespmem:s23], [sflag:$0x8], $0x400, s22, s21, $0x38;
	[tilespmem:$0x10400] =	vst v63  }
0x1d2: {  	s23 =	sadd.s32 $0x100, s1  }
0x1d3: {  	[hbm4b:s23+s21] =	stream.strided.scatter [tilespmem:s15], [sflag:$0x8], $0x400, s22, s21, $0x38;
	[tilespmem:$0x10400] =	vst v63  }
0x1d4: {  	s4 =	sadd.s32 $0x140, s1;
	s23 =	simm.s32 $0xD800  }
0x1d5: {  	[hbm4b:s4+s21] =	stream.strided.scatter [tilespmem:s23], [sflag:$0x8], $0x400, s22, s21, $0x38;
	[tilespmem:$0x10400] =	vst v63  }
0x1d6: {  	s23 =	sadd.s32 $0x180, s1  }
0x1d7: {  	[hbm4b:s23+s21] =	stream.strided.scatter [tilespmem:s14], [sflag:$0x8], $0x400, s22, s21, $0x38;
	[tilespmem:$0x10400] =	vst v63  }
0x1d8: {  	s4 =	sadd.s32 $0x1C0, s1;
	s23 =	simm.s32 $0xE000  }
0x1d9: {  	[hbm4b:s4+s21] =	stream.strided.scatter [tilespmem:s23], [sflag:$0x8], $0x400, s22, s21, $0x38;
	[tilespmem:$0x10400] =	vst v63  }
0x1da: {  	s23 =	sadd.s32 $0x400, s1  }
0x1db: {  	[hbm4b:s23+s21] =	stream.strided.scatter [tilespmem:s16], [sflag:$0x8], $0x400, s22, s21, $0x38;
	[tilespmem:$0x10400] =	vst v63  }
0x1dc: {  	s4 =	sadd.s32 $0x440, s1;
	s23 =	simm.s32 $0xE800  }
0x1dd: {  	[hbm4b:s4+s21] =	stream.strided.scatter [tilespmem:s23], [sflag:$0x8], $0x400, s22, s21, $0x38;
	[tilespmem:$0x10400] =	vst v63  }
0x1de: {  	s23 =	sadd.s32 $0x480, s1  }
0x1df: {  	[hbm4b:s23+s21] =	stream.strided.scatter [tilespmem:s17], [sflag:$0x8], $0x400, s22, s21, $0x38;
	[tilespmem:$0x10400] =	vst v63  }
0x1e0: {  	s4 =	sadd.s32 $0x4C0, s1;
	s23 =	simm.s32 $0xF000  }
0x1e1: {  	[hbm4b:s4+s21] =	stream.strided.scatter [tilespmem:s23], [sflag:$0x8], $0x400, s22, s21, $0x38;
	[tilespmem:$0x10400] =	vst v63  }
0x1e2: {  	s23 =	sadd.s32 $0x500, s1  }
0x1e3: {  	[hbm4b:s23+s21] =	stream.strided.scatter [tilespmem:s18], [sflag:$0x8], $0x400, s22, s21, $0x38;
	[tilespmem:$0x10400] =	vst v63  }
0x1e4: {  	s4 =	sadd.s32 $0x540, s1;
	s23 =	simm.s32 $0xF800  }
0x1e5: {  	[hbm4b:s4+s21] =	stream.strided.scatter [tilespmem:s23], [sflag:$0x8], $0x400, s22, s21, $0x38;
	[tilespmem:$0x10400] =	vst v63  }
0x1e6: {  	s23 =	sadd.s32 $0x580, s1  }
0x1e7: {  	[hbm4b:s23+s21] =	stream.strided.scatter [tilespmem:s19], [sflag:$0x8], $0x400, s22, s21, $0x38;
	[tilespmem:$0x10400] =	vst v63  }
0x1e8: {  	s4 =	sadd.s32 $0x5C0, s1;
	s1 =	simm.s32 $0x5;
	s23 =	simm.s32 $0x10000  }
0x1e9: {  	[hbm4b:s4+s21] =	stream.strided.scatter [tilespmem:s23], [sflag:$0x8], $0x400, s22, s21, $0x38;
	[tilespmem:$0x10400] =	vst v63  }
0x1ea: {  	_ =	swait.ge [sflag:s1], $0x4000  }
0x1eb: {  	[sflag:s1] =	ssyncset.done $0x0  }
0x1ec: {  	s4 =	simm.s32 $0x6;
	[sflag:s1] =	ssyncadd.s32 $0xFFFFC000  }
0x1ed: {  	_ =	swait.ge [sflag:s4], $0x4000  }
0x1ee: {  	[sflag:s4] =	ssyncset.done $0x0  }
0x1ef: {  	s23 =	simm.s32 $0x7;
	[sflag:s4] =	ssyncadd.s32 $0xFFFFC000  }
0x1f0: {  	_ =	swait.ge [sflag:s23], $0x4000  }
0x1f1: {  	[sflag:s23] =	ssyncset.done $0x0  }
0x1f2: {  	s4 =	simm.s32 $0x8;
	[sflag:s23] =	ssyncadd.s32 $0xFFFFC000  }
0x1f3: {  	_ =	swait.ge [sflag:s4], $0x4000  }
0x1f4: {  	s0 =	rddreg [dreg:$0xa]  }
0x1f5: {  	s23 =	rddreg [dreg:$0x9];
	s1 =	sadd.s32 $0x1, s0  }
0x1f6: {  	p0 =	sne.s32 s1, s23  }
.Ltmp1:
0x1f7: {  	_ = 	snop;
	(pc) =	sbr.rel @p0 .LBB2_1-.Ltmp1, $3  }
0x1f8: {  	_ =	sdelay $0x1  }
0x1f9: {  	[sflag:s4] =	ssyncset.done $0x0  }
0x1fa: {  	s31 =	simm.s32 $0xC00;
	[sflag:s4] =	ssyncadd.s32 $0xFFFFC000;
	s4 =	simm.s32 $0x400  }
0x1fb: {  	_ =	sfence.sel $0x180000  }
0x1fc: {  	[bflag:$0x0] =	sbarrier.arrive $0xFFFF  }
0x1fd: {  	_ =	strace $0x90000047  }
0x1fe: {  	s0 =	stileid.u32;
	[bflag:$0x2] =	sbarrier.arrive $0xFFFF  }
0x1ff: {  	p0 =	sne.s32 s0, $0x0;
	s0 =	rddreg [dreg:$0x2]  }
0x200: {  	s0 =	sadd.s32 @!p0 $0x100000, s0  }
0x201: {  	[sflag:s0] =	ssyncadd.tile.s32 @!p0 $0x1;
	_ =	shalt  }
.Lfunc_end2:
_tile_overlayer_lowered:
.L_overlay_start_2:
0x202: {  	(tag) =	ssettag $0x2  }
0x203: {  	s0 =	rddreg [dreg:$0x0];
	s2 =	stileid.u32  }
0x204: {  	s1 =	rddreg [dreg:$0x1];
	p0 =	sne.s32 s2, $0x0  }
0x205: {  	s3 =	rddreg [dreg:$0x2];
	[bflag:$0x3] =	sbarrier.arrive $0xFFFF;
	s2 =	simm.s32 @!p0 $0x1C09  }
0x206: {  	[timem:s3], [sflag:s2] =	dma.local @!p0 [hbm:s0], s1  }
0x207: {  	s0 =	simm.s32 @!p0 $0x9  }
0x208: {  	_ =	swait.ge @!p0 [sflag:s0], s1  }
0x209: {  	s1 =	ssub.s32 @!p0 $0x0, s1;
	[sflag:s0] =	ssyncset.done @!p0 $0x0  }
0x20a: {  	[sflag:s0] =	ssyncadd.s32 @!p0 s1  }
0x20b: {  	[bflag:$0x3] =	sbarrier.arrive $0xFFFF  }
0x20c: {  	_ =	shalt  }

</sc_bundles>
